<compile_context>
chip_gen: v7x
topology: tpu7x:2x2x1
jax: 0.10.2.dev20260603
libtpu: 0.0.44.dev20260713+nightly
codegen_flags: <defaults>
</compile_context>

<pallas_src>
import functools

import jax
import jax.numpy as jnp
from jax import lax
from jax.experimental import pallas as pl
from jax.experimental.pallas import tpu as pltpu
from jax.experimental.pallas import tpu_sc as plsc

B, L, D = 16384, 200, 32
N_TOK = B * L
N_WORKERS = 32
PER_W = N_TOK // N_WORKERS
CHUNK = 512
SUB = 128
K = CHUNK // SUB
N_ITERS = PER_W // CHUNK
CHAR_ROWS = 1_000_000
LANG_ROWS = 1_000
PROJ_BLK = 16384
CP_ROWS = 62 * PROJ_BLK


TCH = 4096


def _unpack_t_kernel(x_ref, o_ref):
    x = x_ref[...]
    t = x.T
    for u in range(4):
        o_ref[0, :, u * (TCH // 4):(u + 1) * (TCH // 4)] = (
            t[u * D:(u + 1) * D, :])


def _proj_pack_kernel(w_ref, xt_ref, o_ref):
    y = lax.dot_general(
        xt_ref[...], w_ref[...], (((0,), (1,)), ((), ())),
        preferred_element_type=jnp.float32)
    q = PROJ_BLK // 4
    for u in range(4):
        o_ref[:, u * D:(u + 1) * D] = y[u * q:(u + 1) * q, :]


def _proj_t_bias_kernel(w_ref, xt_ref, b_ref, o_ref):
    o_ref[...] = lax.dot_general(
        w_ref[...], xt_ref[...], (((1,), (0,)), ((), ())),
        preferred_element_type=jnp.float32) + b_ref[...]


def _sc_body(cid_ref, lid_ref, cproj_ref, lproj_ref, out_ref,
             idx_c0, idx_l0, rows_c0, rows_l0,
             idx_c1, idx_l1, rows_c1, rows_l1, lang_v,
             sem_c0, sem_l0, sem_c1, sem_l1, sem_o0, sem_o1):
    bufs = ((idx_c0, idx_l0, rows_c0, rows_l0, sem_c0, sem_l0, sem_o0),
            (idx_c1, idx_l1, rows_c1, rows_l1, sem_c1, sem_l1, sem_o1))
    nc = 2
    wid = lax.axis_index("s") * nc + lax.axis_index("c")
    base = wid * N_ITERS

    def gather_copies(idx_c, idx_l, rows_c, rows_l, sem_c, sem_l):
        cps = []
        for j in range(K):
            cps.append(pltpu.make_async_copy(
                cproj_ref.at[idx_c.at[j]], rows_c.at[pl.ds(j * SUB, SUB)],
                sem_c))
            cps.append(pltpu.make_async_copy(
                lang_v.at[idx_l.at[j]], rows_l.at[pl.ds(j * SUB, SUB)],
                sem_l))
        return cps

    def stage_and_fire(idx, buf):
        idx_c, idx_l, rows_c, rows_l, sem_c, sem_l, _ = buf
        blk0 = idx * K
        pltpu.sync_copy(cid_ref.at[pl.ds(blk0, K)], idx_c)
        pltpu.sync_copy(lid_ref.at[pl.ds(blk0, K)], idx_l)
        for cp in gather_copies(idx_c, idx_l, rows_c, rows_l, sem_c, sem_l):
            cp.start()

    def out_copy(idx, rows_c, sem_o):
        row0 = (idx // 8) * 1024 + (idx % 2) * CHUNK
        u = (idx % 8) // 2
        return pltpu.make_async_copy(
            rows_c, out_ref.at[pl.ds(row0, CHUNK), pl.ds(u * D, D)], sem_o)

    def add_and_write(idx, buf):
        _, _, rows_c, rows_l, _, _, sem_o = buf

        def add_body(i, c2):
            plsc.addupdate(rows_c.at[i, pl.ds(0, 16)], rows_l[i, pl.ds(0, 16)])
            plsc.addupdate(rows_c.at[i, pl.ds(16, 16)],
                           rows_l[i, pl.ds(16, 16)])
            return c2

        lax.fori_loop(0, CHUNK, add_body, 0, unroll=8)
        out_copy(idx, rows_c, sem_o).start()

    def drain(idx, buf):
        idx_c, idx_l, rows_c, rows_l, sem_c, sem_l, _ = buf
        for cp in gather_copies(idx_c, idx_l, rows_c, rows_l, sem_c, sem_l):
            cp.wait()

    n_pairs = N_ITERS // 2
    @pl.when(lax.axis_index("s") == 0)
    def _():
        pltpu.sync_copy(lproj_ref, lang_v)
    plsc.subcore_barrier()
    stage_and_fire(base, bufs[0])

    def pair(t, carry):
        a = base + 2 * t

        @pl.when(t > 0)
        def _():
            out_copy(a - 1, bufs[1][2], bufs[1][6]).wait()
        stage_and_fire(a + 1, bufs[1])
        drain(a, bufs[0])
        add_and_write(a, bufs[0])

        @pl.when(t + 1 < n_pairs)
        def _():
            out_copy(a, bufs[0][2], bufs[0][6]).wait()
            stage_and_fire(a + 2, bufs[0])
        drain(a + 1, bufs[1])
        add_and_write(a + 1, bufs[1])
        return carry

    lax.fori_loop(0, n_pairs, pair, 0)
    out_copy(base + N_ITERS - 2, bufs[0][2], bufs[0][6]).wait()
    out_copy(base + N_ITERS - 1, bufs[1][2], bufs[1][6]).wait()


_sc_gather_add = functools.partial(
    pl.kernel,
    out_type=jax.ShapeDtypeStruct((N_TOK * D // 128, 128), jnp.float32),
    mesh=plsc.VectorSubcoreMesh(core_axis_name="c", subcore_axis_name="s"),
    scratch_types=[
        pltpu.VMEM((K, SUB), jnp.int32),
        pltpu.VMEM((K, SUB), jnp.int32),
        pltpu.VMEM((CHUNK, D), jnp.float32),
        pltpu.VMEM((CHUNK, D), jnp.float32),
        pltpu.VMEM((K, SUB), jnp.int32),
        pltpu.VMEM((K, SUB), jnp.int32),
        pltpu.VMEM((CHUNK, D), jnp.float32),
        pltpu.VMEM((CHUNK, D), jnp.float32),
        pltpu.VMEM_SHARED((LANG_ROWS, D), jnp.float32),
        pltpu.SemaphoreType.DMA,
        pltpu.SemaphoreType.DMA,
        pltpu.SemaphoreType.DMA,
        pltpu.SemaphoreType.DMA,
        pltpu.SemaphoreType.DMA,
        pltpu.SemaphoreType.DMA,
    ],
    compiler_params=pltpu.CompilerParams(use_tc_tiling_on_sc=False, needs_layout_passes=False),
)(_sc_body)


def kernel(char_ids, lang_ids, char_table, lang_table, W, b):
    cid_raw = char_ids.T.astype(jnp.int32)
    qq = PROJ_BLK // 4
    cid = ((cid_raw & -PROJ_BLK) + ((cid_raw & (qq - 1)) << 2)
           + ((cid_raw & (PROJ_BLK - 1)) // qq)).reshape(N_TOK // SUB, SUB)
    lid = lang_ids.T.astype(jnp.int32).reshape(N_TOK // SUB, SUB)

    char_proj_packed = pl.pallas_call(
        _proj_pack_kernel,
        grid=(CP_ROWS // PROJ_BLK,),
        in_specs=[
            pl.BlockSpec((D, D), lambda i: (0, 0)),
            pl.BlockSpec((D, PROJ_BLK), lambda i: (0, i)),
        ],
        out_specs=pl.BlockSpec((PROJ_BLK // 4, 128), lambda i: (i, 0)),
        out_shape=jax.ShapeDtypeStruct((CP_ROWS * D // 128, 128), jnp.float32),
    )(W[:, :D], char_table.T)

    lang_proj_t = pl.pallas_call(
        _proj_t_bias_kernel,
        out_shape=jax.ShapeDtypeStruct((D, LANG_ROWS), jnp.float32),
    )(W[:, D:], lang_table.T, b.reshape(D, 1))

    packed = _sc_gather_add(cid, lid,
                            char_proj_packed.reshape(CP_ROWS, D),
                            lang_proj_t.T)

    out_t = pl.pallas_call(
        _unpack_t_kernel,
        grid=(L, B // TCH),
        in_specs=[pl.BlockSpec((TCH // 4, 128),
                               lambda l, j: (l * (B // TCH) + j, 0))],
        out_specs=pl.BlockSpec((1, D, TCH), lambda l, j: (l, 0, j)),
        out_shape=jax.ShapeDtypeStruct((L, D, B), jnp.float32),
    )(packed)
    return out_t.transpose(2, 0, 1)

# --- scband reference (transcript-rebuilt; emitter-appended) ---
"""Pipeline reference for scband-embedding-56839597195721 (READ-ONLY COPY).

The authoritative reference and input builder live on the scoring server;
editing this copy changes nothing except your own understanding.
"""

import jax, jax.numpy as jnp
import numpy as np

PAD_IDX = 0

def setup_inputs(seed: int = 0) -> dict:
    key = jax.random.key(seed)
    k1, k2, k3, k4, k5, k6 = jax.random.split(key, 6)
    char_ids = jax.random.randint(k1, (16384, 200), 0, 1000000, dtype=jnp.int64) if jax.config.jax_enable_x64 else jax.random.randint(k1, (16384, 200), 0, 1000000, dtype=jnp.int32)
    lang_ids = jax.random.randint(k2, (16384, 200), 0, 1000, dtype=jnp.int32)
    char_table = jax.random.normal(k3, (1000000, 32), dtype=jnp.float32) * 0.02
    lang_table = jax.random.normal(k4, (1000, 32), dtype=jnp.float32) * 0.02
    # padding rows zeroed (module's set_pad_embedding_to_zero semantics)
    char_table = char_table.at[PAD_IDX].set(0.0)
    lang_table = lang_table.at[PAD_IDX].set(0.0)
    W = jax.random.normal(k5, (32, 64), dtype=jnp.float32) * (1.0 / np.sqrt(64.0))
    b = jax.random.normal(k6, (32,), dtype=jnp.float32) * 0.01
    return {"char_ids": char_ids, "lang_ids": lang_ids, "char_table": char_table, "lang_table": lang_table, "W": W, "b": b}

def reference(char_ids, lang_ids, char_table, lang_table, W, b):
    chars_embedded = jnp.take(char_table, char_ids, axis=0)   # [B, L, D]
    lang_embedded = jnp.take(lang_table, lang_ids, axis=0)    # [B, L, D]
    embedding_cat = jnp.concatenate([chars_embedded, lang_embedded], axis=-1)  # [B, L, 2D]
    combined_embedding = embedding_cat @ W.T + b               # [B, L, D]
    return combined_embedding

if __name__ == "__main__":
    import jax
    _d = setup_inputs()
    print(jax.jit(kernel)(*tuple(_d.values())))

</pallas_src>

<mosaic_0001>
#map = affine_map<(d0, d1) -> (0, 0)>
module attributes {stable_mosaic.version = 14 : i64} {
  func.func @_sc_body(%arg0: i32, %arg1: i32, %arg2: memref<25600x128xi32, #tpu.memory_space<hbm>>, %arg3: memref<25600x128xi32, #tpu.memory_space<hbm>>, %arg4: memref<1015808x32xf32, #tpu.memory_space<hbm>>, %arg5: memref<1000x32xf32, #tpu.memory_space<hbm>>, %arg6: memref<819200x128xf32, #tpu.memory_space<hbm>>, %arg7: memref<4x128xi32, #tpu.memory_space<vmem>>, %arg8: memref<4x128xi32, #tpu.memory_space<vmem>>, %arg9: memref<512x32xf32, #tpu.memory_space<vmem>>, %arg10: memref<512x32xf32, #tpu.memory_space<vmem>>, %arg11: memref<4x128xi32, #tpu.memory_space<vmem>>, %arg12: memref<4x128xi32, #tpu.memory_space<vmem>>, %arg13: memref<512x32xf32, #tpu.memory_space<vmem>>, %arg14: memref<512x32xf32, #tpu.memory_space<vmem>>, %arg15: memref<1000x32xf32, #tpu.memory_space<vmem_shared>>, %arg16: memref<!tpu.dma_semaphore, #tpu.memory_space<semaphore_mem>>, %arg17: memref<!tpu.dma_semaphore, #tpu.memory_space<semaphore_mem>>, %arg18: memref<!tpu.dma_semaphore, #tpu.memory_space<semaphore_mem>>, %arg19: memref<!tpu.dma_semaphore, #tpu.memory_space<semaphore_mem>>, %arg20: memref<!tpu.dma_semaphore, #tpu.memory_space<semaphore_mem>>, %arg21: memref<!tpu.dma_semaphore, #tpu.memory_space<semaphore_mem>>) attributes {dimension_semantics = [#tpu.dimension_semantics<core_parallel>, #tpu.dimension_semantics<subcore_parallel>], iteration_bounds = array<i64: 2, 16>, scalar_prefetch = 0 : i64, scratch_operands = 15 : i64, tpu.core_type = #tpu.core_type<sc_vector_subcore>, window_params = [{transform_indices = #map}, {transform_indices = #map}, {transform_indices = #map}, {transform_indices = #map}, {transform_indices = #map}]} {
    %mul3A = arith.constant 2 : i32
    %mul3A_0 = arith.muli %arg1, %mul3A : i32
    %add3A = arith.addi %mul3A_0, %arg0 : i32
    %mul3A_1 = arith.constant 200 : i32
    %mul3A_2 = arith.muli %add3A, %mul3A_1 : i32
    %eq3A = arith.constant 0 : i32
    %eq3A_3 = arith.cmpi eq, %arg1, %eq3A : i32
    %convert_element_type3A = arith.extui %eq3A_3 : i1 to i32
    %cond3A = arith.constant 0 : i32
    %cond3A_4 = arith.cmpi ne, %convert_element_type3A, %cond3A : i32
    scf.if %cond3A_4 {
      "tpu.region"() ({
        %run_scoped3A = tpu.sem_alloc : memref<!tpu.dma_semaphore, #tpu.memory_space<semaphore_mem>>
        tpu.enqueue_dma source(%arg5 : memref<1000x32xf32, #tpu.memory_space<hbm>>) target(%arg15 : memref<1000x32xf32, #tpu.memory_space<vmem_shared>>) target_semaphore(%run_scoped3A : memref<!tpu.dma_semaphore, #tpu.memory_space<semaphore_mem>>)
        tpu.wait_dma2 semaphore(%run_scoped3A : memref<!tpu.dma_semaphore, #tpu.memory_space<semaphore_mem>>) src(%arg5 : memref<1000x32xf32, #tpu.memory_space<hbm>>) dst(%arg15 : memref<1000x32xf32, #tpu.memory_space<vmem_shared>>)
        tpu.yield
      }) : () -> ()
    } else {
    }
    %barrier3A = arith.constant 0 : index
    tpu.barrier barrier_id(%barrier3A)
    %mul3A_5 = arith.constant 4 : i32
    %mul3A_6 = arith.muli %mul3A_2, %mul3A_5 : i32
    "tpu.region"() ({
      %run_scoped3A = tpu.sem_alloc : memref<!tpu.dma_semaphore, #tpu.memory_space<semaphore_mem>>
      %dma_start3A_267 = arith.constant 0 : i32
      %dma_start3A_268 = tpu.memref_slice %arg2[%mul3A_6, %dma_start3A_267] : memref<25600x128xi32, #tpu.memory_space<hbm>> -> memref<4x128xi32, #tpu.memory_space<hbm>>
      %dma_start3A_269 = arith.constant 0 : i32
      %dma_start3A_270 = tpu.memref_slice %arg2[%mul3A_6, %dma_start3A_269] : memref<25600x128xi32, #tpu.memory_space<hbm>> -> memref<4x128xi32, #tpu.memory_space<hbm>>
      tpu.enqueue_dma source(%dma_start3A_270 : memref<4x128xi32, #tpu.memory_space<hbm>>) target(%arg7 : memref<4x128xi32, #tpu.memory_space<vmem>>) target_semaphore(%run_scoped3A : memref<!tpu.dma_semaphore, #tpu.memory_space<semaphore_mem>>)
      %dma_wait3A_271 = arith.constant 0 : i32
      %dma_wait3A_272 = tpu.memref_slice %arg2[%mul3A_6, %dma_wait3A_271] : memref<25600x128xi32, #tpu.memory_space<hbm>> -> memref<4x128xi32, #tpu.memory_space<hbm>>
      %dma_wait3A_273 = arith.constant 0 : i32
      %dma_wait3A_274 = tpu.memref_slice %arg2[%mul3A_6, %dma_wait3A_273] : memref<25600x128xi32, #tpu.memory_space<hbm>> -> memref<4x128xi32, #tpu.memory_space<hbm>>
      tpu.wait_dma2 semaphore(%run_scoped3A : memref<!tpu.dma_semaphore, #tpu.memory_space<semaphore_mem>>) src(%dma_wait3A_274 : memref<4x128xi32, #tpu.memory_space<hbm>>) dst(%arg7 : memref<4x128xi32, #tpu.memory_space<vmem>>)
      tpu.yield
    }) : () -> ()
    "tpu.region"() ({
      %run_scoped3A = tpu.sem_alloc : memref<!tpu.dma_semaphore, #tpu.memory_space<semaphore_mem>>
      %dma_start3A_267 = arith.constant 0 : i32
      %dma_start3A_268 = tpu.memref_slice %arg3[%mul3A_6, %dma_start3A_267] : memref<25600x128xi32, #tpu.memory_space<hbm>> -> memref<4x128xi32, #tpu.memory_space<hbm>>
      %dma_start3A_269 = arith.constant 0 : i32
      %dma_start3A_270 = tpu.memref_slice %arg3[%mul3A_6, %dma_start3A_269] : memref<25600x128xi32, #tpu.memory_space<hbm>> -> memref<4x128xi32, #tpu.memory_space<hbm>>
      tpu.enqueue_dma source(%dma_start3A_270 : memref<4x128xi32, #tpu.memory_space<hbm>>) target(%arg8 : memref<4x128xi32, #tpu.memory_space<vmem>>) target_semaphore(%run_scoped3A : memref<!tpu.dma_semaphore, #tpu.memory_space<semaphore_mem>>)
      %dma_wait3A_271 = arith.constant 0 : i32
      %dma_wait3A_272 = tpu.memref_slice %arg3[%mul3A_6, %dma_wait3A_271] : memref<25600x128xi32, #tpu.memory_space<hbm>> -> memref<4x128xi32, #tpu.memory_space<hbm>>
      %dma_wait3A_273 = arith.constant 0 : i32
      %dma_wait3A_274 = tpu.memref_slice %arg3[%mul3A_6, %dma_wait3A_273] : memref<25600x128xi32, #tpu.memory_space<hbm>> -> memref<4x128xi32, #tpu.memory_space<hbm>>
      tpu.wait_dma2 semaphore(%run_scoped3A : memref<!tpu.dma_semaphore, #tpu.memory_space<semaphore_mem>>) src(%dma_wait3A_274 : memref<4x128xi32, #tpu.memory_space<hbm>>) dst(%arg8 : memref<4x128xi32, #tpu.memory_space<vmem>>)
      tpu.yield
    }) : () -> ()
    %dma_start3A = arith.constant 0 : i32
    %dma_start3A_7 = arith.constant 0 : i32
    %dma_start3A_8 = arith.constant 0 : i32
    %dma_start3A_9 = tpu.memref_slice %arg9[%dma_start3A_7, %dma_start3A_8] : memref<512x32xf32, #tpu.memory_space<vmem>> -> memref<128x32xf32, #tpu.memory_space<vmem>>
    %dma_start3A_10 = arith.constant 0 : i32
    %dma_start3A_11 = tpu.memref_slice %arg7[%dma_start3A, %dma_start3A_10] : memref<4x128xi32, #tpu.memory_space<vmem>> -> memref<1x128xi32, #tpu.memory_space<vmem>>
    %dma_start3A_12 = tpu.memref_squeeze %dma_start3A_11 : memref<1x128xi32, #tpu.memory_space<vmem>> -> memref<128xi32, #tpu.memory_space<vmem>>
    %dma_start3A_13 = arith.constant 0 : i32
    %dma_start3A_14 = arith.constant 0 : i32
    %dma_start3A_15 = tpu.memref_slice %arg4[%dma_start3A_13, %dma_start3A_14] : memref<1015808x32xf32, #tpu.memory_space<hbm>> -> memref<1015808x32xf32, #tpu.memory_space<hbm>>
    tpu.enqueue_indirect_dma source(%dma_start3A_15 : memref<1015808x32xf32, #tpu.memory_space<hbm>>) target(%dma_start3A_9 : memref<128x32xf32, #tpu.memory_space<vmem>>) offsets(%dma_start3A_12 : memref<128xi32, #tpu.memory_space<vmem>>) semaphore(%arg16 : memref<!tpu.dma_semaphore, #tpu.memory_space<semaphore_mem>>)
    %dma_start3A_16 = arith.constant 0 : i32
    %dma_start3A_17 = arith.constant 0 : i32
    %dma_start3A_18 = arith.constant 0 : i32
    %dma_start3A_19 = tpu.memref_slice %arg10[%dma_start3A_17, %dma_start3A_18] : memref<512x32xf32, #tpu.memory_space<vmem>> -> memref<128x32xf32, #tpu.memory_space<vmem>>
    %dma_start3A_20 = arith.constant 0 : i32
    %dma_start3A_21 = tpu.memref_slice %arg8[%dma_start3A_16, %dma_start3A_20] : memref<4x128xi32, #tpu.memory_space<vmem>> -> memref<1x128xi32, #tpu.memory_space<vmem>>
    %dma_start3A_22 = tpu.memref_squeeze %dma_start3A_21 : memref<1x128xi32, #tpu.memory_space<vmem>> -> memref<128xi32, #tpu.memory_space<vmem>>
    %dma_start3A_23 = arith.constant 0 : i32
    %dma_start3A_24 = arith.constant 0 : i32
    %dma_start3A_25 = tpu.memref_slice %arg15[%dma_start3A_23, %dma_start3A_24] : memref<1000x32xf32, #tpu.memory_space<vmem_shared>> -> memref<1000x32xf32, #tpu.memory_space<vmem_shared>>
    tpu.enqueue_indirect_dma source(%dma_start3A_25 : memref<1000x32xf32, #tpu.memory_space<vmem_shared>>) target(%dma_start3A_19 : memref<128x32xf32, #tpu.memory_space<vmem>>) offsets(%dma_start3A_22 : memref<128xi32, #tpu.memory_space<vmem>>) semaphore(%arg17 : memref<!tpu.dma_semaphore, #tpu.memory_space<semaphore_mem>>)
    %dma_start3A_26 = arith.constant 1 : i32
    %dma_start3A_27 = arith.constant 128 : i32
    %dma_start3A_28 = arith.constant 0 : i32
    %dma_start3A_29 = tpu.memref_slice %arg9[%dma_start3A_27, %dma_start3A_28] : memref<512x32xf32, #tpu.memory_space<vmem>> -> memref<128x32xf32, #tpu.memory_space<vmem>>
    %dma_start3A_30 = arith.constant 0 : i32
    %dma_start3A_31 = tpu.memref_slice %arg7[%dma_start3A_26, %dma_start3A_30] : memref<4x128xi32, #tpu.memory_space<vmem>> -> memref<1x128xi32, #tpu.memory_space<vmem>>
    %dma_start3A_32 = tpu.memref_squeeze %dma_start3A_31 : memref<1x128xi32, #tpu.memory_space<vmem>> -> memref<128xi32, #tpu.memory_space<vmem>>
    %dma_start3A_33 = arith.constant 0 : i32
    %dma_start3A_34 = arith.constant 0 : i32
    %dma_start3A_35 = tpu.memref_slice %arg4[%dma_start3A_33, %dma_start3A_34] : memref<1015808x32xf32, #tpu.memory_space<hbm>> -> memref<1015808x32xf32, #tpu.memory_space<hbm>>
    tpu.enqueue_indirect_dma source(%dma_start3A_35 : memref<1015808x32xf32, #tpu.memory_space<hbm>>) target(%dma_start3A_29 : memref<128x32xf32, #tpu.memory_space<vmem>>) offsets(%dma_start3A_32 : memref<128xi32, #tpu.memory_space<vmem>>) semaphore(%arg16 : memref<!tpu.dma_semaphore, #tpu.memory_space<semaphore_mem>>)
    %dma_start3A_36 = arith.constant 1 : i32
    %dma_start3A_37 = arith.constant 128 : i32
    %dma_start3A_38 = arith.constant 0 : i32
    %dma_start3A_39 = tpu.memref_slice %arg10[%dma_start3A_37, %dma_start3A_38] : memref<512x32xf32, #tpu.memory_space<vmem>> -> memref<128x32xf32, #tpu.memory_space<vmem>>
    %dma_start3A_40 = arith.constant 0 : i32
    %dma_start3A_41 = tpu.memref_slice %arg8[%dma_start3A_36, %dma_start3A_40] : memref<4x128xi32, #tpu.memory_space<vmem>> -> memref<1x128xi32, #tpu.memory_space<vmem>>
    %dma_start3A_42 = tpu.memref_squeeze %dma_start3A_41 : memref<1x128xi32, #tpu.memory_space<vmem>> -> memref<128xi32, #tpu.memory_space<vmem>>
    %dma_start3A_43 = arith.constant 0 : i32
    %dma_start3A_44 = arith.constant 0 : i32
    %dma_start3A_45 = tpu.memref_slice %arg15[%dma_start3A_43, %dma_start3A_44] : memref<1000x32xf32, #tpu.memory_space<vmem_shared>> -> memref<1000x32xf32, #tpu.memory_space<vmem_shared>>
    tpu.enqueue_indirect_dma source(%dma_start3A_45 : memref<1000x32xf32, #tpu.memory_space<vmem_shared>>) target(%dma_start3A_39 : memref<128x32xf32, #tpu.memory_space<vmem>>) offsets(%dma_start3A_42 : memref<128xi32, #tpu.memory_space<vmem>>) semaphore(%arg17 : memref<!tpu.dma_semaphore, #tpu.memory_space<semaphore_mem>>)
    %dma_start3A_46 = arith.constant 2 : i32
    %dma_start3A_47 = arith.constant 256 : i32
    %dma_start3A_48 = arith.constant 0 : i32
    %dma_start3A_49 = tpu.memref_slice %arg9[%dma_start3A_47, %dma_start3A_48] : memref<512x32xf32, #tpu.memory_space<vmem>> -> memref<128x32xf32, #tpu.memory_space<vmem>>
    %dma_start3A_50 = arith.constant 0 : i32
    %dma_start3A_51 = tpu.memref_slice %arg7[%dma_start3A_46, %dma_start3A_50] : memref<4x128xi32, #tpu.memory_space<vmem>> -> memref<1x128xi32, #tpu.memory_space<vmem>>
    %dma_start3A_52 = tpu.memref_squeeze %dma_start3A_51 : memref<1x128xi32, #tpu.memory_space<vmem>> -> memref<128xi32, #tpu.memory_space<vmem>>
    %dma_start3A_53 = arith.constant 0 : i32
    %dma_start3A_54 = arith.constant 0 : i32
    %dma_start3A_55 = tpu.memref_slice %arg4[%dma_start3A_53, %dma_start3A_54] : memref<1015808x32xf32, #tpu.memory_space<hbm>> -> memref<1015808x32xf32, #tpu.memory_space<hbm>>
    tpu.enqueue_indirect_dma source(%dma_start3A_55 : memref<1015808x32xf32, #tpu.memory_space<hbm>>) target(%dma_start3A_49 : memref<128x32xf32, #tpu.memory_space<vmem>>) offsets(%dma_start3A_52 : memref<128xi32, #tpu.memory_space<vmem>>) semaphore(%arg16 : memref<!tpu.dma_semaphore, #tpu.memory_space<semaphore_mem>>)
    %dma_start3A_56 = arith.constant 2 : i32
    %dma_start3A_57 = arith.constant 256 : i32
    %dma_start3A_58 = arith.constant 0 : i32
    %dma_start3A_59 = tpu.memref_slice %arg10[%dma_start3A_57, %dma_start3A_58] : memref<512x32xf32, #tpu.memory_space<vmem>> -> memref<128x32xf32, #tpu.memory_space<vmem>>
    %dma_start3A_60 = arith.constant 0 : i32
    %dma_start3A_61 = tpu.memref_slice %arg8[%dma_start3A_56, %dma_start3A_60] : memref<4x128xi32, #tpu.memory_space<vmem>> -> memref<1x128xi32, #tpu.memory_space<vmem>>
    %dma_start3A_62 = tpu.memref_squeeze %dma_start3A_61 : memref<1x128xi32, #tpu.memory_space<vmem>> -> memref<128xi32, #tpu.memory_space<vmem>>
    %dma_start3A_63 = arith.constant 0 : i32
    %dma_start3A_64 = arith.constant 0 : i32
    %dma_start3A_65 = tpu.memref_slice %arg15[%dma_start3A_63, %dma_start3A_64] : memref<1000x32xf32, #tpu.memory_space<vmem_shared>> -> memref<1000x32xf32, #tpu.memory_space<vmem_shared>>
    tpu.enqueue_indirect_dma source(%dma_start3A_65 : memref<1000x32xf32, #tpu.memory_space<vmem_shared>>) target(%dma_start3A_59 : memref<128x32xf32, #tpu.memory_space<vmem>>) offsets(%dma_start3A_62 : memref<128xi32, #tpu.memory_space<vmem>>) semaphore(%arg17 : memref<!tpu.dma_semaphore, #tpu.memory_space<semaphore_mem>>)
    %dma_start3A_66 = arith.constant 3 : i32
    %dma_start3A_67 = arith.constant 384 : i32
    %dma_start3A_68 = arith.constant 0 : i32
    %dma_start3A_69 = tpu.memref_slice %arg9[%dma_start3A_67, %dma_start3A_68] : memref<512x32xf32, #tpu.memory_space<vmem>> -> memref<128x32xf32, #tpu.memory_space<vmem>>
    %dma_start3A_70 = arith.constant 0 : i32
    %dma_start3A_71 = tpu.memref_slice %arg7[%dma_start3A_66, %dma_start3A_70] : memref<4x128xi32, #tpu.memory_space<vmem>> -> memref<1x128xi32, #tpu.memory_space<vmem>>
    %dma_start3A_72 = tpu.memref_squeeze %dma_start3A_71 : memref<1x128xi32, #tpu.memory_space<vmem>> -> memref<128xi32, #tpu.memory_space<vmem>>
    %dma_start3A_73 = arith.constant 0 : i32
    %dma_start3A_74 = arith.constant 0 : i32
    %dma_start3A_75 = tpu.memref_slice %arg4[%dma_start3A_73, %dma_start3A_74] : memref<1015808x32xf32, #tpu.memory_space<hbm>> -> memref<1015808x32xf32, #tpu.memory_space<hbm>>
    tpu.enqueue_indirect_dma source(%dma_start3A_75 : memref<1015808x32xf32, #tpu.memory_space<hbm>>) target(%dma_start3A_69 : memref<128x32xf32, #tpu.memory_space<vmem>>) offsets(%dma_start3A_72 : memref<128xi32, #tpu.memory_space<vmem>>) semaphore(%arg16 : memref<!tpu.dma_semaphore, #tpu.memory_space<semaphore_mem>>)
    %dma_start3A_76 = arith.constant 3 : i32
    %dma_start3A_77 = arith.constant 384 : i32
    %dma_start3A_78 = arith.constant 0 : i32
    %dma_start3A_79 = tpu.memref_slice %arg10[%dma_start3A_77, %dma_start3A_78] : memref<512x32xf32, #tpu.memory_space<vmem>> -> memref<128x32xf32, #tpu.memory_space<vmem>>
    %dma_start3A_80 = arith.constant 0 : i32
    %dma_start3A_81 = tpu.memref_slice %arg8[%dma_start3A_76, %dma_start3A_80] : memref<4x128xi32, #tpu.memory_space<vmem>> -> memref<1x128xi32, #tpu.memory_space<vmem>>
    %dma_start3A_82 = tpu.memref_squeeze %dma_start3A_81 : memref<1x128xi32, #tpu.memory_space<vmem>> -> memref<128xi32, #tpu.memory_space<vmem>>
    %dma_start3A_83 = arith.constant 0 : i32
    %dma_start3A_84 = arith.constant 0 : i32
    %dma_start3A_85 = tpu.memref_slice %arg15[%dma_start3A_83, %dma_start3A_84] : memref<1000x32xf32, #tpu.memory_space<vmem_shared>> -> memref<1000x32xf32, #tpu.memory_space<vmem_shared>>
    tpu.enqueue_indirect_dma source(%dma_start3A_85 : memref<1000x32xf32, #tpu.memory_space<vmem_shared>>) target(%dma_start3A_79 : memref<128x32xf32, #tpu.memory_space<vmem>>) offsets(%dma_start3A_82 : memref<128xi32, #tpu.memory_space<vmem>>) semaphore(%arg17 : memref<!tpu.dma_semaphore, #tpu.memory_space<semaphore_mem>>)
    %scan3A = arith.constant 0 : i32
    %scan3A_86 = arith.constant 0 : i32
    %scan3A_87 = arith.constant 100 : i32
    %scan3A_88 = arith.addi %scan3A_86, %scan3A_87 : i32
    %scan3A_89 = arith.constant 1 : i32
    scf.for %scan3A_267 = %scan3A_86 to %scan3A_88 step %scan3A_89  : i32 {
      %mul3A_268 = arith.constant 2 : i32
      %mul3A_269 = arith.muli %mul3A_268, %scan3A_267 : i32
      %add3A_270 = arith.addi %mul3A_2, %mul3A_269 : i32
      %gt3A = arith.constant 0 : i32
      %gt3A_271 = arith.cmpi sgt, %scan3A_267, %gt3A : i32
      %convert_element_type3A_272 = arith.extui %gt3A_271 : i1 to i32
      %cond3A_273 = arith.constant 0 : i32
      %cond3A_274 = arith.cmpi ne, %convert_element_type3A_272, %cond3A_273 : i32
      scf.if %cond3A_274 {
        %sub3A_720 = arith.constant 1 : i32
        %sub3A_721 = arith.subi %add3A_270, %sub3A_720 : i32
        %jit3A_722 = arith.constant 8 : i32
        %div3A_723 = arith.divsi %sub3A_721, %jit3A_722 : i32
        %sign3A_724 = arith.constant 0 : i32
        %sign3A_725 = arith.cmpi sgt, %sub3A_721, %sign3A_724 : i32
        %sign3A_726 = arith.extui %sign3A_725 : i1 to i32
        %sign3A_727 = arith.constant 0 : i32
        %sign3A_728 = arith.cmpi slt, %sub3A_721, %sign3A_727 : i32
        %sign3A_729 = arith.extui %sign3A_728 : i1 to i32
        %sign3A_730 = arith.subi %sign3A_726, %sign3A_729 : i32
        %sign3A_731 = arith.constant 0 : i32
        %sign3A_732 = arith.cmpi sgt, %jit3A_722, %sign3A_731 : i32
        %sign3A_733 = arith.extui %sign3A_732 : i1 to i32
        %sign3A_734 = arith.constant 0 : i32
        %sign3A_735 = arith.cmpi slt, %jit3A_722, %sign3A_734 : i32
        %sign3A_736 = arith.extui %sign3A_735 : i1 to i32
        %sign3A_737 = arith.subi %sign3A_733, %sign3A_736 : i32
        %ne3A_738 = arith.cmpi ne, %sign3A_730, %sign3A_737 : i32
        %rem3A_739 = arith.remsi %sub3A_721, %jit3A_722 : i32
        %ne3A_740 = arith.constant 0 : i32
        %ne3A_741 = arith.cmpi ne, %rem3A_739, %ne3A_740 : i32
        %and3A_742 = arith.andi %ne3A_738, %ne3A_741 : i1
        %sub3A_743 = arith.constant 1 : i32
        %sub3A_744 = arith.subi %div3A_723, %sub3A_743 : i32
        %select_n3A_745 = arith.select %and3A_742, %sub3A_744, %div3A_723 : i32
        %mul3A_746 = arith.constant 1024 : i32
        %mul3A_747 = arith.muli %select_n3A_745, %mul3A_746 : i32
        %jit3A_748 = arith.constant 2 : i32
        %eq3A_749 = arith.constant 0 : i32
        %eq3A_750 = arith.cmpi eq, %jit3A_748, %eq3A_749 : i32
        %jit3A_751 = arith.constant 1 : i32
        %select_n3A_752 = arith.select %eq3A_750, %jit3A_751, %jit3A_748 : i32
        %rem3A_753 = arith.remsi %sub3A_721, %select_n3A_752 : i32
        %ne3A_754 = arith.constant 0 : i32
        %ne3A_755 = arith.cmpi ne, %rem3A_753, %ne3A_754 : i32
        %lt3A_756 = arith.constant 0 : i32
        %lt3A_757 = arith.cmpi slt, %rem3A_753, %lt3A_756 : i32
        %lt3A_758 = arith.constant 0 : i32
        %lt3A_759 = arith.cmpi slt, %select_n3A_752, %lt3A_758 : i32
        %ne3A_760 = arith.xori %lt3A_757, %lt3A_759 : i1
        %and3A_761 = arith.andi %ne3A_760, %ne3A_755 : i1
        %add3A_762 = arith.addi %rem3A_753, %select_n3A_752 : i32
        %select_n3A_763 = arith.select %and3A_761, %add3A_762, %rem3A_753 : i32
        %mul3A_764 = arith.constant 512 : i32
        %mul3A_765 = arith.muli %select_n3A_763, %mul3A_764 : i32
        %add3A_766 = arith.addi %mul3A_747, %mul3A_765 : i32
        %jit3A_767 = arith.constant 8 : i32
        %eq3A_768 = arith.constant 0 : i32
        %eq3A_769 = arith.cmpi eq, %jit3A_767, %eq3A_768 : i32
        %jit3A_770 = arith.constant 1 : i32
        %select_n3A_771 = arith.select %eq3A_769, %jit3A_770, %jit3A_767 : i32
        %rem3A_772 = arith.remsi %sub3A_721, %select_n3A_771 : i32
        %ne3A_773 = arith.constant 0 : i32
        %ne3A_774 = arith.cmpi ne, %rem3A_772, %ne3A_773 : i32
        %lt3A_775 = arith.constant 0 : i32
        %lt3A_776 = arith.cmpi slt, %rem3A_772, %lt3A_775 : i32
        %lt3A_777 = arith.constant 0 : i32
        %lt3A_778 = arith.cmpi slt, %select_n3A_771, %lt3A_777 : i32
        %ne3A_779 = arith.xori %lt3A_776, %lt3A_778 : i1
        %and3A_780 = arith.andi %ne3A_779, %ne3A_774 : i1
        %add3A_781 = arith.addi %rem3A_772, %select_n3A_771 : i32
        %select_n3A_782 = arith.select %and3A_780, %add3A_781, %rem3A_772 : i32
        %jit3A_783 = arith.constant 2 : i32
        %div3A_784 = arith.divsi %select_n3A_782, %jit3A_783 : i32
        %sign3A_785 = arith.constant 0 : i32
        %sign3A_786 = arith.cmpi sgt, %select_n3A_782, %sign3A_785 : i32
        %sign3A_787 = arith.extui %sign3A_786 : i1 to i32
        %sign3A_788 = arith.constant 0 : i32
        %sign3A_789 = arith.cmpi slt, %select_n3A_782, %sign3A_788 : i32
        %sign3A_790 = arith.extui %sign3A_789 : i1 to i32
        %sign3A_791 = arith.subi %sign3A_787, %sign3A_790 : i32
        %sign3A_792 = arith.constant 0 : i32
        %sign3A_793 = arith.cmpi sgt, %jit3A_783, %sign3A_792 : i32
        %sign3A_794 = arith.extui %sign3A_793 : i1 to i32
        %sign3A_795 = arith.constant 0 : i32
        %sign3A_796 = arith.cmpi slt, %jit3A_783, %sign3A_795 : i32
        %sign3A_797 = arith.extui %sign3A_796 : i1 to i32
        %sign3A_798 = arith.subi %sign3A_794, %sign3A_797 : i32
        %ne3A_799 = arith.cmpi ne, %sign3A_791, %sign3A_798 : i32
        %rem3A_800 = arith.remsi %select_n3A_782, %jit3A_783 : i32
        %ne3A_801 = arith.constant 0 : i32
        %ne3A_802 = arith.cmpi ne, %rem3A_800, %ne3A_801 : i32
        %and3A_803 = arith.andi %ne3A_799, %ne3A_802 : i1
        %sub3A_804 = arith.constant 1 : i32
        %sub3A_805 = arith.subi %div3A_784, %sub3A_804 : i32
        %select_n3A_806 = arith.select %and3A_803, %sub3A_805, %div3A_784 : i32
        %mul3A_807 = arith.constant 32 : i32
        %mul3A_808 = arith.muli %select_n3A_806, %mul3A_807 : i32
        %dma_wait3A_809 = tpu.memref_slice %arg6[%add3A_766, %mul3A_808] : memref<819200x128xf32, #tpu.memory_space<hbm>> -> memref<512x32xf32, #tpu.memory_space<hbm>>
        %dma_wait3A_810 = tpu.memref_slice %arg6[%add3A_766, %mul3A_808] : memref<819200x128xf32, #tpu.memory_space<hbm>> -> memref<512x32xf32, #tpu.memory_space<hbm>>
        tpu.wait_dma2 semaphore(%arg21 : memref<!tpu.dma_semaphore, #tpu.memory_space<semaphore_mem>>) src(%arg13 : memref<512x32xf32, #tpu.memory_space<vmem>>) dst(%dma_wait3A_810 : memref<512x32xf32, #tpu.memory_space<hbm>>)
      } else {
      }
      %add3A_275 = arith.constant 1 : i32
      %add3A_276 = arith.addi %add3A_270, %add3A_275 : i32
      %mul3A_277 = arith.constant 4 : i32
      %mul3A_278 = arith.muli %add3A_276, %mul3A_277 : i32
      "tpu.region"() ({
        %run_scoped3A = tpu.sem_alloc : memref<!tpu.dma_semaphore, #tpu.memory_space<semaphore_mem>>
        %dma_start3A_720 = arith.constant 0 : i32
        %dma_start3A_721 = tpu.memref_slice %arg2[%mul3A_278, %dma_start3A_720] : memref<25600x128xi32, #tpu.memory_space<hbm>> -> memref<4x128xi32, #tpu.memory_space<hbm>>
        %dma_start3A_722 = arith.constant 0 : i32
        %dma_start3A_723 = tpu.memref_slice %arg2[%mul3A_278, %dma_start3A_722] : memref<25600x128xi32, #tpu.memory_space<hbm>> -> memref<4x128xi32, #tpu.memory_space<hbm>>
        tpu.enqueue_dma source(%dma_start3A_723 : memref<4x128xi32, #tpu.memory_space<hbm>>) target(%arg11 : memref<4x128xi32, #tpu.memory_space<vmem>>) target_semaphore(%run_scoped3A : memref<!tpu.dma_semaphore, #tpu.memory_space<semaphore_mem>>)
        %dma_wait3A_724 = arith.constant 0 : i32
        %dma_wait3A_725 = tpu.memref_slice %arg2[%mul3A_278, %dma_wait3A_724] : memref<25600x128xi32, #tpu.memory_space<hbm>> -> memref<4x128xi32, #tpu.memory_space<hbm>>
        %dma_wait3A_726 = arith.constant 0 : i32
        %dma_wait3A_727 = tpu.memref_slice %arg2[%mul3A_278, %dma_wait3A_726] : memref<25600x128xi32, #tpu.memory_space<hbm>> -> memref<4x128xi32, #tpu.memory_space<hbm>>
        tpu.wait_dma2 semaphore(%run_scoped3A : memref<!tpu.dma_semaphore, #tpu.memory_space<semaphore_mem>>) src(%dma_wait3A_727 : memref<4x128xi32, #tpu.memory_space<hbm>>) dst(%arg11 : memref<4x128xi32, #tpu.memory_space<vmem>>)
        tpu.yield
      }) : () -> ()
      "tpu.region"() ({
        %run_scoped3A = tpu.sem_alloc : memref<!tpu.dma_semaphore, #tpu.memory_space<semaphore_mem>>
        %dma_start3A_720 = arith.constant 0 : i32
        %dma_start3A_721 = tpu.memref_slice %arg3[%mul3A_278, %dma_start3A_720] : memref<25600x128xi32, #tpu.memory_space<hbm>> -> memref<4x128xi32, #tpu.memory_space<hbm>>
        %dma_start3A_722 = arith.constant 0 : i32
        %dma_start3A_723 = tpu.memref_slice %arg3[%mul3A_278, %dma_start3A_722] : memref<25600x128xi32, #tpu.memory_space<hbm>> -> memref<4x128xi32, #tpu.memory_space<hbm>>
        tpu.enqueue_dma source(%dma_start3A_723 : memref<4x128xi32, #tpu.memory_space<hbm>>) target(%arg12 : memref<4x128xi32, #tpu.memory_space<vmem>>) target_semaphore(%run_scoped3A : memref<!tpu.dma_semaphore, #tpu.memory_space<semaphore_mem>>)
        %dma_wait3A_724 = arith.constant 0 : i32
        %dma_wait3A_725 = tpu.memref_slice %arg3[%mul3A_278, %dma_wait3A_724] : memref<25600x128xi32, #tpu.memory_space<hbm>> -> memref<4x128xi32, #tpu.memory_space<hbm>>
        %dma_wait3A_726 = arith.constant 0 : i32
        %dma_wait3A_727 = tpu.memref_slice %arg3[%mul3A_278, %dma_wait3A_726] : memref<25600x128xi32, #tpu.memory_space<hbm>> -> memref<4x128xi32, #tpu.memory_space<hbm>>
        tpu.wait_dma2 semaphore(%run_scoped3A : memref<!tpu.dma_semaphore, #tpu.memory_space<semaphore_mem>>) src(%dma_wait3A_727 : memref<4x128xi32, #tpu.memory_space<hbm>>) dst(%arg12 : memref<4x128xi32, #tpu.memory_space<vmem>>)
        tpu.yield
      }) : () -> ()
      %dma_start3A_279 = arith.constant 0 : i32
      %dma_start3A_280 = arith.constant 0 : i32
      %dma_start3A_281 = arith.constant 0 : i32
      %dma_start3A_282 = tpu.memref_slice %arg13[%dma_start3A_280, %dma_start3A_281] : memref<512x32xf32, #tpu.memory_space<vmem>> -> memref<128x32xf32, #tpu.memory_space<vmem>>
      %dma_start3A_283 = arith.constant 0 : i32
      %dma_start3A_284 = tpu.memref_slice %arg11[%dma_start3A_279, %dma_start3A_283] : memref<4x128xi32, #tpu.memory_space<vmem>> -> memref<1x128xi32, #tpu.memory_space<vmem>>
      %dma_start3A_285 = tpu.memref_squeeze %dma_start3A_284 : memref<1x128xi32, #tpu.memory_space<vmem>> -> memref<128xi32, #tpu.memory_space<vmem>>
      %dma_start3A_286 = arith.constant 0 : i32
      %dma_start3A_287 = arith.constant 0 : i32
      %dma_start3A_288 = tpu.memref_slice %arg4[%dma_start3A_286, %dma_start3A_287] : memref<1015808x32xf32, #tpu.memory_space<hbm>> -> memref<1015808x32xf32, #tpu.memory_space<hbm>>
      tpu.enqueue_indirect_dma source(%dma_start3A_288 : memref<1015808x32xf32, #tpu.memory_space<hbm>>) target(%dma_start3A_282 : memref<128x32xf32, #tpu.memory_space<vmem>>) offsets(%dma_start3A_285 : memref<128xi32, #tpu.memory_space<vmem>>) semaphore(%arg18 : memref<!tpu.dma_semaphore, #tpu.memory_space<semaphore_mem>>)
      %dma_start3A_289 = arith.constant 0 : i32
      %dma_start3A_290 = arith.constant 0 : i32
      %dma_start3A_291 = arith.constant 0 : i32
      %dma_start3A_292 = tpu.memref_slice %arg14[%dma_start3A_290, %dma_start3A_291] : memref<512x32xf32, #tpu.memory_space<vmem>> -> memref<128x32xf32, #tpu.memory_space<vmem>>
      %dma_start3A_293 = arith.constant 0 : i32
      %dma_start3A_294 = tpu.memref_slice %arg12[%dma_start3A_289, %dma_start3A_293] : memref<4x128xi32, #tpu.memory_space<vmem>> -> memref<1x128xi32, #tpu.memory_space<vmem>>
      %dma_start3A_295 = tpu.memref_squeeze %dma_start3A_294 : memref<1x128xi32, #tpu.memory_space<vmem>> -> memref<128xi32, #tpu.memory_space<vmem>>
      %dma_start3A_296 = arith.constant 0 : i32
      %dma_start3A_297 = arith.constant 0 : i32
      %dma_start3A_298 = tpu.memref_slice %arg15[%dma_start3A_296, %dma_start3A_297] : memref<1000x32xf32, #tpu.memory_space<vmem_shared>> -> memref<1000x32xf32, #tpu.memory_space<vmem_shared>>
      tpu.enqueue_indirect_dma source(%dma_start3A_298 : memref<1000x32xf32, #tpu.memory_space<vmem_shared>>) target(%dma_start3A_292 : memref<128x32xf32, #tpu.memory_space<vmem>>) offsets(%dma_start3A_295 : memref<128xi32, #tpu.memory_space<vmem>>) semaphore(%arg19 : memref<!tpu.dma_semaphore, #tpu.memory_space<semaphore_mem>>)
      %dma_start3A_299 = arith.constant 1 : i32
      %dma_start3A_300 = arith.constant 128 : i32
      %dma_start3A_301 = arith.constant 0 : i32
      %dma_start3A_302 = tpu.memref_slice %arg13[%dma_start3A_300, %dma_start3A_301] : memref<512x32xf32, #tpu.memory_space<vmem>> -> memref<128x32xf32, #tpu.memory_space<vmem>>
      %dma_start3A_303 = arith.constant 0 : i32
      %dma_start3A_304 = tpu.memref_slice %arg11[%dma_start3A_299, %dma_start3A_303] : memref<4x128xi32, #tpu.memory_space<vmem>> -> memref<1x128xi32, #tpu.memory_space<vmem>>
      %dma_start3A_305 = tpu.memref_squeeze %dma_start3A_304 : memref<1x128xi32, #tpu.memory_space<vmem>> -> memref<128xi32, #tpu.memory_space<vmem>>
      %dma_start3A_306 = arith.constant 0 : i32
      %dma_start3A_307 = arith.constant 0 : i32
      %dma_start3A_308 = tpu.memref_slice %arg4[%dma_start3A_306, %dma_start3A_307] : memref<1015808x32xf32, #tpu.memory_space<hbm>> -> memref<1015808x32xf32, #tpu.memory_space<hbm>>
      tpu.enqueue_indirect_dma source(%dma_start3A_308 : memref<1015808x32xf32, #tpu.memory_space<hbm>>) target(%dma_start3A_302 : memref<128x32xf32, #tpu.memory_space<vmem>>) offsets(%dma_start3A_305 : memref<128xi32, #tpu.memory_space<vmem>>) semaphore(%arg18 : memref<!tpu.dma_semaphore, #tpu.memory_space<semaphore_mem>>)
      %dma_start3A_309 = arith.constant 1 : i32
      %dma_start3A_310 = arith.constant 128 : i32
      %dma_start3A_311 = arith.constant 0 : i32
      %dma_start3A_312 = tpu.memref_slice %arg14[%dma_start3A_310, %dma_start3A_311] : memref<512x32xf32, #tpu.memory_space<vmem>> -> memref<128x32xf32, #tpu.memory_space<vmem>>
      %dma_start3A_313 = arith.constant 0 : i32
      %dma_start3A_314 = tpu.memref_slice %arg12[%dma_start3A_309, %dma_start3A_313] : memref<4x128xi32, #tpu.memory_space<vmem>> -> memref<1x128xi32, #tpu.memory_space<vmem>>
      %dma_start3A_315 = tpu.memref_squeeze %dma_start3A_314 : memref<1x128xi32, #tpu.memory_space<vmem>> -> memref<128xi32, #tpu.memory_space<vmem>>
      %dma_start3A_316 = arith.constant 0 : i32
      %dma_start3A_317 = arith.constant 0 : i32
      %dma_start3A_318 = tpu.memref_slice %arg15[%dma_start3A_316, %dma_start3A_317] : memref<1000x32xf32, #tpu.memory_space<vmem_shared>> -> memref<1000x32xf32, #tpu.memory_space<vmem_shared>>
      tpu.enqueue_indirect_dma source(%dma_start3A_318 : memref<1000x32xf32, #tpu.memory_space<vmem_shared>>) target(%dma_start3A_312 : memref<128x32xf32, #tpu.memory_space<vmem>>) offsets(%dma_start3A_315 : memref<128xi32, #tpu.memory_space<vmem>>) semaphore(%arg19 : memref<!tpu.dma_semaphore, #tpu.memory_space<semaphore_mem>>)
      %dma_start3A_319 = arith.constant 2 : i32
      %dma_start3A_320 = arith.constant 256 : i32
      %dma_start3A_321 = arith.constant 0 : i32
      %dma_start3A_322 = tpu.memref_slice %arg13[%dma_start3A_320, %dma_start3A_321] : memref<512x32xf32, #tpu.memory_space<vmem>> -> memref<128x32xf32, #tpu.memory_space<vmem>>
      %dma_start3A_323 = arith.constant 0 : i32
      %dma_start3A_324 = tpu.memref_slice %arg11[%dma_start3A_319, %dma_start3A_323] : memref<4x128xi32, #tpu.memory_space<vmem>> -> memref<1x128xi32, #tpu.memory_space<vmem>>
      %dma_start3A_325 = tpu.memref_squeeze %dma_start3A_324 : memref<1x128xi32, #tpu.memory_space<vmem>> -> memref<128xi32, #tpu.memory_space<vmem>>
      %dma_start3A_326 = arith.constant 0 : i32
      %dma_start3A_327 = arith.constant 0 : i32
      %dma_start3A_328 = tpu.memref_slice %arg4[%dma_start3A_326, %dma_start3A_327] : memref<1015808x32xf32, #tpu.memory_space<hbm>> -> memref<1015808x32xf32, #tpu.memory_space<hbm>>
      tpu.enqueue_indirect_dma source(%dma_start3A_328 : memref<1015808x32xf32, #tpu.memory_space<hbm>>) target(%dma_start3A_322 : memref<128x32xf32, #tpu.memory_space<vmem>>) offsets(%dma_start3A_325 : memref<128xi32, #tpu.memory_space<vmem>>) semaphore(%arg18 : memref<!tpu.dma_semaphore, #tpu.memory_space<semaphore_mem>>)
      %dma_start3A_329 = arith.constant 2 : i32
      %dma_start3A_330 = arith.constant 256 : i32
      %dma_start3A_331 = arith.constant 0 : i32
      %dma_start3A_332 = tpu.memref_slice %arg14[%dma_start3A_330, %dma_start3A_331] : memref<512x32xf32, #tpu.memory_space<vmem>> -> memref<128x32xf32, #tpu.memory_space<vmem>>
      %dma_start3A_333 = arith.constant 0 : i32
      %dma_start3A_334 = tpu.memref_slice %arg12[%dma_start3A_329, %dma_start3A_333] : memref<4x128xi32, #tpu.memory_space<vmem>> -> memref<1x128xi32, #tpu.memory_space<vmem>>
      %dma_start3A_335 = tpu.memref_squeeze %dma_start3A_334 : memref<1x128xi32, #tpu.memory_space<vmem>> -> memref<128xi32, #tpu.memory_space<vmem>>
      %dma_start3A_336 = arith.constant 0 : i32
      %dma_start3A_337 = arith.constant 0 : i32
      %dma_start3A_338 = tpu.memref_slice %arg15[%dma_start3A_336, %dma_start3A_337] : memref<1000x32xf32, #tpu.memory_space<vmem_shared>> -> memref<1000x32xf32, #tpu.memory_space<vmem_shared>>
      tpu.enqueue_indirect_dma source(%dma_start3A_338 : memref<1000x32xf32, #tpu.memory_space<vmem_shared>>) target(%dma_start3A_332 : memref<128x32xf32, #tpu.memory_space<vmem>>) offsets(%dma_start3A_335 : memref<128xi32, #tpu.memory_space<vmem>>) semaphore(%arg19 : memref<!tpu.dma_semaphore, #tpu.memory_space<semaphore_mem>>)
      %dma_start3A_339 = arith.constant 3 : i32
      %dma_start3A_340 = arith.constant 384 : i32
      %dma_start3A_341 = arith.constant 0 : i32
      %dma_start3A_342 = tpu.memref_slice %arg13[%dma_start3A_340, %dma_start3A_341] : memref<512x32xf32, #tpu.memory_space<vmem>> -> memref<128x32xf32, #tpu.memory_space<vmem>>
      %dma_start3A_343 = arith.constant 0 : i32
      %dma_start3A_344 = tpu.memref_slice %arg11[%dma_start3A_339, %dma_start3A_343] : memref<4x128xi32, #tpu.memory_space<vmem>> -> memref<1x128xi32, #tpu.memory_space<vmem>>
      %dma_start3A_345 = tpu.memref_squeeze %dma_start3A_344 : memref<1x128xi32, #tpu.memory_space<vmem>> -> memref<128xi32, #tpu.memory_space<vmem>>
      %dma_start3A_346 = arith.constant 0 : i32
      %dma_start3A_347 = arith.constant 0 : i32
      %dma_start3A_348 = tpu.memref_slice %arg4[%dma_start3A_346, %dma_start3A_347] : memref<1015808x32xf32, #tpu.memory_space<hbm>> -> memref<1015808x32xf32, #tpu.memory_space<hbm>>
      tpu.enqueue_indirect_dma source(%dma_start3A_348 : memref<1015808x32xf32, #tpu.memory_space<hbm>>) target(%dma_start3A_342 : memref<128x32xf32, #tpu.memory_space<vmem>>) offsets(%dma_start3A_345 : memref<128xi32, #tpu.memory_space<vmem>>) semaphore(%arg18 : memref<!tpu.dma_semaphore, #tpu.memory_space<semaphore_mem>>)
      %dma_start3A_349 = arith.constant 3 : i32
      %dma_start3A_350 = arith.constant 384 : i32
      %dma_start3A_351 = arith.constant 0 : i32
      %dma_start3A_352 = tpu.memref_slice %arg14[%dma_start3A_350, %dma_start3A_351] : memref<512x32xf32, #tpu.memory_space<vmem>> -> memref<128x32xf32, #tpu.memory_space<vmem>>
      %dma_start3A_353 = arith.constant 0 : i32
      %dma_start3A_354 = tpu.memref_slice %arg12[%dma_start3A_349, %dma_start3A_353] : memref<4x128xi32, #tpu.memory_space<vmem>> -> memref<1x128xi32, #tpu.memory_space<vmem>>
      %dma_start3A_355 = tpu.memref_squeeze %dma_start3A_354 : memref<1x128xi32, #tpu.memory_space<vmem>> -> memref<128xi32, #tpu.memory_space<vmem>>
      %dma_start3A_356 = arith.constant 0 : i32
      %dma_start3A_357 = arith.constant 0 : i32
      %dma_start3A_358 = tpu.memref_slice %arg15[%dma_start3A_356, %dma_start3A_357] : memref<1000x32xf32, #tpu.memory_space<vmem_shared>> -> memref<1000x32xf32, #tpu.memory_space<vmem_shared>>
      tpu.enqueue_indirect_dma source(%dma_start3A_358 : memref<1000x32xf32, #tpu.memory_space<vmem_shared>>) target(%dma_start3A_352 : memref<128x32xf32, #tpu.memory_space<vmem>>) offsets(%dma_start3A_355 : memref<128xi32, #tpu.memory_space<vmem>>) semaphore(%arg19 : memref<!tpu.dma_semaphore, #tpu.memory_space<semaphore_mem>>)
      %dma_wait3A_359 = arith.constant 0 : i32
      %dma_wait3A_360 = arith.constant 0 : i32
      %dma_wait3A_361 = arith.constant 0 : i32
      %dma_wait3A_362 = tpu.memref_slice %arg9[%dma_wait3A_360, %dma_wait3A_361] : memref<512x32xf32, #tpu.memory_space<vmem>> -> memref<128x32xf32, #tpu.memory_space<vmem>>
      %dma_wait3A_363 = arith.constant 0 : i32
      %dma_wait3A_364 = tpu.memref_slice %arg7[%dma_wait3A_359, %dma_wait3A_363] : memref<4x128xi32, #tpu.memory_space<vmem>> -> memref<1x128xi32, #tpu.memory_space<vmem>>
      %dma_wait3A_365 = tpu.memref_squeeze %dma_wait3A_364 : memref<1x128xi32, #tpu.memory_space<vmem>> -> memref<128xi32, #tpu.memory_space<vmem>>
      %dma_wait3A_366 = arith.constant 0 : i32
      %dma_wait3A_367 = arith.constant 0 : i32
      %dma_wait3A_368 = tpu.memref_slice %arg4[%dma_wait3A_366, %dma_wait3A_367] : memref<1015808x32xf32, #tpu.memory_space<hbm>> -> memref<1015808x32xf32, #tpu.memory_space<hbm>>
      tpu.wait_indirect_dma semaphore(%arg16 : memref<!tpu.dma_semaphore, #tpu.memory_space<semaphore_mem>>) src(%dma_wait3A_368 : memref<1015808x32xf32, #tpu.memory_space<hbm>>) dst(%dma_wait3A_362 : memref<128x32xf32, #tpu.memory_space<vmem>>)
      %dma_wait3A_369 = arith.constant 0 : i32
      %dma_wait3A_370 = arith.constant 0 : i32
      %dma_wait3A_371 = arith.constant 0 : i32
      %dma_wait3A_372 = tpu.memref_slice %arg10[%dma_wait3A_370, %dma_wait3A_371] : memref<512x32xf32, #tpu.memory_space<vmem>> -> memref<128x32xf32, #tpu.memory_space<vmem>>
      %dma_wait3A_373 = arith.constant 0 : i32
      %dma_wait3A_374 = tpu.memref_slice %arg8[%dma_wait3A_369, %dma_wait3A_373] : memref<4x128xi32, #tpu.memory_space<vmem>> -> memref<1x128xi32, #tpu.memory_space<vmem>>
      %dma_wait3A_375 = tpu.memref_squeeze %dma_wait3A_374 : memref<1x128xi32, #tpu.memory_space<vmem>> -> memref<128xi32, #tpu.memory_space<vmem>>
      %dma_wait3A_376 = arith.constant 0 : i32
      %dma_wait3A_377 = arith.constant 0 : i32
      %dma_wait3A_378 = tpu.memref_slice %arg15[%dma_wait3A_376, %dma_wait3A_377] : memref<1000x32xf32, #tpu.memory_space<vmem_shared>> -> memref<1000x32xf32, #tpu.memory_space<vmem_shared>>
      tpu.wait_indirect_dma semaphore(%arg17 : memref<!tpu.dma_semaphore, #tpu.memory_space<semaphore_mem>>) src(%dma_wait3A_378 : memref<1000x32xf32, #tpu.memory_space<vmem_shared>>) dst(%dma_wait3A_372 : memref<128x32xf32, #tpu.memory_space<vmem>>)
      %dma_wait3A_379 = arith.constant 1 : i32
      %dma_wait3A_380 = arith.constant 128 : i32
      %dma_wait3A_381 = arith.constant 0 : i32
      %dma_wait3A_382 = tpu.memref_slice %arg9[%dma_wait3A_380, %dma_wait3A_381] : memref<512x32xf32, #tpu.memory_space<vmem>> -> memref<128x32xf32, #tpu.memory_space<vmem>>
      %dma_wait3A_383 = arith.constant 0 : i32
      %dma_wait3A_384 = tpu.memref_slice %arg7[%dma_wait3A_379, %dma_wait3A_383] : memref<4x128xi32, #tpu.memory_space<vmem>> -> memref<1x128xi32, #tpu.memory_space<vmem>>
      %dma_wait3A_385 = tpu.memref_squeeze %dma_wait3A_384 : memref<1x128xi32, #tpu.memory_space<vmem>> -> memref<128xi32, #tpu.memory_space<vmem>>
      %dma_wait3A_386 = arith.constant 0 : i32
      %dma_wait3A_387 = arith.constant 0 : i32
      %dma_wait3A_388 = tpu.memref_slice %arg4[%dma_wait3A_386, %dma_wait3A_387] : memref<1015808x32xf32, #tpu.memory_space<hbm>> -> memref<1015808x32xf32, #tpu.memory_space<hbm>>
      tpu.wait_indirect_dma semaphore(%arg16 : memref<!tpu.dma_semaphore, #tpu.memory_space<semaphore_mem>>) src(%dma_wait3A_388 : memref<1015808x32xf32, #tpu.memory_space<hbm>>) dst(%dma_wait3A_382 : memref<128x32xf32, #tpu.memory_space<vmem>>)
      %dma_wait3A_389 = arith.constant 1 : i32
      %dma_wait3A_390 = arith.constant 128 : i32
      %dma_wait3A_391 = arith.constant 0 : i32
      %dma_wait3A_392 = tpu.memref_slice %arg10[%dma_wait3A_390, %dma_wait3A_391] : memref<512x32xf32, #tpu.memory_space<vmem>> -> memref<128x32xf32, #tpu.memory_space<vmem>>
      %dma_wait3A_393 = arith.constant 0 : i32
      %dma_wait3A_394 = tpu.memref_slice %arg8[%dma_wait3A_389, %dma_wait3A_393] : memref<4x128xi32, #tpu.memory_space<vmem>> -> memref<1x128xi32, #tpu.memory_space<vmem>>
      %dma_wait3A_395 = tpu.memref_squeeze %dma_wait3A_394 : memref<1x128xi32, #tpu.memory_space<vmem>> -> memref<128xi32, #tpu.memory_space<vmem>>
      %dma_wait3A_396 = arith.constant 0 : i32
      %dma_wait3A_397 = arith.constant 0 : i32
      %dma_wait3A_398 = tpu.memref_slice %arg15[%dma_wait3A_396, %dma_wait3A_397] : memref<1000x32xf32, #tpu.memory_space<vmem_shared>> -> memref<1000x32xf32, #tpu.memory_space<vmem_shared>>
      tpu.wait_indirect_dma semaphore(%arg17 : memref<!tpu.dma_semaphore, #tpu.memory_space<semaphore_mem>>) src(%dma_wait3A_398 : memref<1000x32xf32, #tpu.memory_space<vmem_shared>>) dst(%dma_wait3A_392 : memref<128x32xf32, #tpu.memory_space<vmem>>)
      %dma_wait3A_399 = arith.constant 2 : i32
      %dma_wait3A_400 = arith.constant 256 : i32
      %dma_wait3A_401 = arith.constant 0 : i32
      %dma_wait3A_402 = tpu.memref_slice %arg9[%dma_wait3A_400, %dma_wait3A_401] : memref<512x32xf32, #tpu.memory_space<vmem>> -> memref<128x32xf32, #tpu.memory_space<vmem>>
      %dma_wait3A_403 = arith.constant 0 : i32
      %dma_wait3A_404 = tpu.memref_slice %arg7[%dma_wait3A_399, %dma_wait3A_403] : memref<4x128xi32, #tpu.memory_space<vmem>> -> memref<1x128xi32, #tpu.memory_space<vmem>>
      %dma_wait3A_405 = tpu.memref_squeeze %dma_wait3A_404 : memref<1x128xi32, #tpu.memory_space<vmem>> -> memref<128xi32, #tpu.memory_space<vmem>>
      %dma_wait3A_406 = arith.constant 0 : i32
      %dma_wait3A_407 = arith.constant 0 : i32
      %dma_wait3A_408 = tpu.memref_slice %arg4[%dma_wait3A_406, %dma_wait3A_407] : memref<1015808x32xf32, #tpu.memory_space<hbm>> -> memref<1015808x32xf32, #tpu.memory_space<hbm>>
      tpu.wait_indirect_dma semaphore(%arg16 : memref<!tpu.dma_semaphore, #tpu.memory_space<semaphore_mem>>) src(%dma_wait3A_408 : memref<1015808x32xf32, #tpu.memory_space<hbm>>) dst(%dma_wait3A_402 : memref<128x32xf32, #tpu.memory_space<vmem>>)
      %dma_wait3A_409 = arith.constant 2 : i32
      %dma_wait3A_410 = arith.constant 256 : i32
      %dma_wait3A_411 = arith.constant 0 : i32
      %dma_wait3A_412 = tpu.memref_slice %arg10[%dma_wait3A_410, %dma_wait3A_411] : memref<512x32xf32, #tpu.memory_space<vmem>> -> memref<128x32xf32, #tpu.memory_space<vmem>>
      %dma_wait3A_413 = arith.constant 0 : i32
      %dma_wait3A_414 = tpu.memref_slice %arg8[%dma_wait3A_409, %dma_wait3A_413] : memref<4x128xi32, #tpu.memory_space<vmem>> -> memref<1x128xi32, #tpu.memory_space<vmem>>
      %dma_wait3A_415 = tpu.memref_squeeze %dma_wait3A_414 : memref<1x128xi32, #tpu.memory_space<vmem>> -> memref<128xi32, #tpu.memory_space<vmem>>
      %dma_wait3A_416 = arith.constant 0 : i32
      %dma_wait3A_417 = arith.constant 0 : i32
      %dma_wait3A_418 = tpu.memref_slice %arg15[%dma_wait3A_416, %dma_wait3A_417] : memref<1000x32xf32, #tpu.memory_space<vmem_shared>> -> memref<1000x32xf32, #tpu.memory_space<vmem_shared>>
      tpu.wait_indirect_dma semaphore(%arg17 : memref<!tpu.dma_semaphore, #tpu.memory_space<semaphore_mem>>) src(%dma_wait3A_418 : memref<1000x32xf32, #tpu.memory_space<vmem_shared>>) dst(%dma_wait3A_412 : memref<128x32xf32, #tpu.memory_space<vmem>>)
      %dma_wait3A_419 = arith.constant 3 : i32
      %dma_wait3A_420 = arith.constant 384 : i32
      %dma_wait3A_421 = arith.constant 0 : i32
      %dma_wait3A_422 = tpu.memref_slice %arg9[%dma_wait3A_420, %dma_wait3A_421] : memref<512x32xf32, #tpu.memory_space<vmem>> -> memref<128x32xf32, #tpu.memory_space<vmem>>
      %dma_wait3A_423 = arith.constant 0 : i32
      %dma_wait3A_424 = tpu.memref_slice %arg7[%dma_wait3A_419, %dma_wait3A_423] : memref<4x128xi32, #tpu.memory_space<vmem>> -> memref<1x128xi32, #tpu.memory_space<vmem>>
      %dma_wait3A_425 = tpu.memref_squeeze %dma_wait3A_424 : memref<1x128xi32, #tpu.memory_space<vmem>> -> memref<128xi32, #tpu.memory_space<vmem>>
      %dma_wait3A_426 = arith.constant 0 : i32
      %dma_wait3A_427 = arith.constant 0 : i32
      %dma_wait3A_428 = tpu.memref_slice %arg4[%dma_wait3A_426, %dma_wait3A_427] : memref<1015808x32xf32, #tpu.memory_space<hbm>> -> memref<1015808x32xf32, #tpu.memory_space<hbm>>
      tpu.wait_indirect_dma semaphore(%arg16 : memref<!tpu.dma_semaphore, #tpu.memory_space<semaphore_mem>>) src(%dma_wait3A_428 : memref<1015808x32xf32, #tpu.memory_space<hbm>>) dst(%dma_wait3A_422 : memref<128x32xf32, #tpu.memory_space<vmem>>)
      %dma_wait3A_429 = arith.constant 3 : i32
      %dma_wait3A_430 = arith.constant 384 : i32
      %dma_wait3A_431 = arith.constant 0 : i32
      %dma_wait3A_432 = tpu.memref_slice %arg10[%dma_wait3A_430, %dma_wait3A_431] : memref<512x32xf32, #tpu.memory_space<vmem>> -> memref<128x32xf32, #tpu.memory_space<vmem>>
      %dma_wait3A_433 = arith.constant 0 : i32
      %dma_wait3A_434 = tpu.memref_slice %arg8[%dma_wait3A_429, %dma_wait3A_433] : memref<4x128xi32, #tpu.memory_space<vmem>> -> memref<1x128xi32, #tpu.memory_space<vmem>>
      %dma_wait3A_435 = tpu.memref_squeeze %dma_wait3A_434 : memref<1x128xi32, #tpu.memory_space<vmem>> -> memref<128xi32, #tpu.memory_space<vmem>>
      %dma_wait3A_436 = arith.constant 0 : i32
      %dma_wait3A_437 = arith.constant 0 : i32
      %dma_wait3A_438 = tpu.memref_slice %arg15[%dma_wait3A_436, %dma_wait3A_437] : memref<1000x32xf32, #tpu.memory_space<vmem_shared>> -> memref<1000x32xf32, #tpu.memory_space<vmem_shared>>
      tpu.wait_indirect_dma semaphore(%arg17 : memref<!tpu.dma_semaphore, #tpu.memory_space<semaphore_mem>>) src(%dma_wait3A_438 : memref<1000x32xf32, #tpu.memory_space<vmem_shared>>) dst(%dma_wait3A_432 : memref<128x32xf32, #tpu.memory_space<vmem>>)
      %scan3A_439 = arith.constant 0 : i32
      %scan3A_440 = arith.constant 0 : i32
      %scan3A_441 = arith.constant 512 : i32
      %scan3A_442 = arith.addi %scan3A_440, %scan3A_441 : i32
      %scan3A_443 = arith.constant 8 : i32
      scf.for %scan3A_720 = %scan3A_440 to %scan3A_442 step %scan3A_443  : i32 {
        %get3A = arith.index_cast %scan3A_720 : i32 to index
        %get3A_721 = arith.constant 0 : index
        %get3A_722 = tpu.vector_load %arg10[%get3A, %get3A_721] {strides = array<i32>} : memref<512x32xf32, #tpu.memory_space<vmem>>, vector<16xf32>,
        %swap3A = arith.index_cast %scan3A_720 : i32 to index
        %swap3A_723 = arith.constant 0 : index
        %swap3A_724 = tpu.vector_load %arg9[%swap3A, %swap3A_723] {strides = array<i32>} : memref<512x32xf32, #tpu.memory_space<vmem>>, vector<16xf32>,
        tpu.vector_store %arg9[%swap3A, %swap3A_723], %get3A_722 {add = true, strides = array<i32>} : memref<512x32xf32, #tpu.memory_space<vmem>>, vector<16xf32>,
        %get3A_725 = arith.index_cast %scan3A_720 : i32 to index
        %get3A_726 = arith.constant 16 : index
        %get3A_727 = tpu.vector_load %arg10[%get3A_725, %get3A_726] {strides = array<i32>} : memref<512x32xf32, #tpu.memory_space<vmem>>, vector<16xf32>,
        %swap3A_728 = arith.index_cast %scan3A_720 : i32 to index
        %swap3A_729 = arith.constant 16 : index
        %swap3A_730 = tpu.vector_load %arg9[%swap3A_728, %swap3A_729] {strides = array<i32>} : memref<512x32xf32, #tpu.memory_space<vmem>>, vector<16xf32>,
        tpu.vector_store %arg9[%swap3A_728, %swap3A_729], %get3A_727 {add = true, strides = array<i32>} : memref<512x32xf32, #tpu.memory_space<vmem>>, vector<16xf32>,
        %scan3A_731 = arith.constant 1 : i32
        %scan3A_732 = arith.addi %scan3A_720, %scan3A_731 : i32
        %get3A_733 = arith.index_cast %scan3A_732 : i32 to index
        %get3A_734 = arith.constant 0 : index
        %get3A_735 = tpu.vector_load %arg10[%get3A_733, %get3A_734] {strides = array<i32>} : memref<512x32xf32, #tpu.memory_space<vmem>>, vector<16xf32>,
        %swap3A_736 = arith.index_cast %scan3A_732 : i32 to index
        %swap3A_737 = arith.constant 0 : index
        %swap3A_738 = tpu.vector_load %arg9[%swap3A_736, %swap3A_737] {strides = array<i32>} : memref<512x32xf32, #tpu.memory_space<vmem>>, vector<16xf32>,
        tpu.vector_store %arg9[%swap3A_736, %swap3A_737], %get3A_735 {add = true, strides = array<i32>} : memref<512x32xf32, #tpu.memory_space<vmem>>, vector<16xf32>,
        %get3A_739 = arith.index_cast %scan3A_732 : i32 to index
        %get3A_740 = arith.constant 16 : index
        %get3A_741 = tpu.vector_load %arg10[%get3A_739, %get3A_740] {strides = array<i32>} : memref<512x32xf32, #tpu.memory_space<vmem>>, vector<16xf32>,
        %swap3A_742 = arith.index_cast %scan3A_732 : i32 to index
        %swap3A_743 = arith.constant 16 : index
        %swap3A_744 = tpu.vector_load %arg9[%swap3A_742, %swap3A_743] {strides = array<i32>} : memref<512x32xf32, #tpu.memory_space<vmem>>, vector<16xf32>,
        tpu.vector_store %arg9[%swap3A_742, %swap3A_743], %get3A_741 {add = true, strides = array<i32>} : memref<512x32xf32, #tpu.memory_space<vmem>>, vector<16xf32>,
        %scan3A_745 = arith.constant 2 : i32
        %scan3A_746 = arith.addi %scan3A_720, %scan3A_745 : i32
        %get3A_747 = arith.index_cast %scan3A_746 : i32 to index
        %get3A_748 = arith.constant 0 : index
        %get3A_749 = tpu.vector_load %arg10[%get3A_747, %get3A_748] {strides = array<i32>} : memref<512x32xf32, #tpu.memory_space<vmem>>, vector<16xf32>,
        %swap3A_750 = arith.index_cast %scan3A_746 : i32 to index
        %swap3A_751 = arith.constant 0 : index
        %swap3A_752 = tpu.vector_load %arg9[%swap3A_750, %swap3A_751] {strides = array<i32>} : memref<512x32xf32, #tpu.memory_space<vmem>>, vector<16xf32>,
        tpu.vector_store %arg9[%swap3A_750, %swap3A_751], %get3A_749 {add = true, strides = array<i32>} : memref<512x32xf32, #tpu.memory_space<vmem>>, vector<16xf32>,
        %get3A_753 = arith.index_cast %scan3A_746 : i32 to index
        %get3A_754 = arith.constant 16 : index
        %get3A_755 = tpu.vector_load %arg10[%get3A_753, %get3A_754] {strides = array<i32>} : memref<512x32xf32, #tpu.memory_space<vmem>>, vector<16xf32>,
        %swap3A_756 = arith.index_cast %scan3A_746 : i32 to index
        %swap3A_757 = arith.constant 16 : index
        %swap3A_758 = tpu.vector_load %arg9[%swap3A_756, %swap3A_757] {strides = array<i32>} : memref<512x32xf32, #tpu.memory_space<vmem>>, vector<16xf32>,
        tpu.vector_store %arg9[%swap3A_756, %swap3A_757], %get3A_755 {add = true, strides = array<i32>} : memref<512x32xf32, #tpu.memory_space<vmem>>, vector<16xf32>,
        %scan3A_759 = arith.constant 3 : i32
        %scan3A_760 = arith.addi %scan3A_720, %scan3A_759 : i32
        %get3A_761 = arith.index_cast %scan3A_760 : i32 to index
        %get3A_762 = arith.constant 0 : index
        %get3A_763 = tpu.vector_load %arg10[%get3A_761, %get3A_762] {strides = array<i32>} : memref<512x32xf32, #tpu.memory_space<vmem>>, vector<16xf32>,
        %swap3A_764 = arith.index_cast %scan3A_760 : i32 to index
        %swap3A_765 = arith.constant 0 : index
        %swap3A_766 = tpu.vector_load %arg9[%swap3A_764, %swap3A_765] {strides = array<i32>} : memref<512x32xf32, #tpu.memory_space<vmem>>, vector<16xf32>,
        tpu.vector_store %arg9[%swap3A_764, %swap3A_765], %get3A_763 {add = true, strides = array<i32>} : memref<512x32xf32, #tpu.memory_space<vmem>>, vector<16xf32>,
        %get3A_767 = arith.index_cast %scan3A_760 : i32 to index
        %get3A_768 = arith.constant 16 : index
        %get3A_769 = tpu.vector_load %arg10[%get3A_767, %get3A_768] {strides = array<i32>} : memref<512x32xf32, #tpu.memory_space<vmem>>, vector<16xf32>,
        %swap3A_770 = arith.index_cast %scan3A_760 : i32 to index
        %swap3A_771 = arith.constant 16 : index
        %swap3A_772 = tpu.vector_load %arg9[%swap3A_770, %swap3A_771] {strides = array<i32>} : memref<512x32xf32, #tpu.memory_space<vmem>>, vector<16xf32>,
        tpu.vector_store %arg9[%swap3A_770, %swap3A_771], %get3A_769 {add = true, strides = array<i32>} : memref<512x32xf32, #tpu.memory_space<vmem>>, vector<16xf32>,
        %scan3A_773 = arith.constant 4 : i32
        %scan3A_774 = arith.addi %scan3A_720, %scan3A_773 : i32
        %get3A_775 = arith.index_cast %scan3A_774 : i32 to index
        %get3A_776 = arith.constant 0 : index
        %get3A_777 = tpu.vector_load %arg10[%get3A_775, %get3A_776] {strides = array<i32>} : memref<512x32xf32, #tpu.memory_space<vmem>>, vector<16xf32>,
        %swap3A_778 = arith.index_cast %scan3A_774 : i32 to index
        %swap3A_779 = arith.constant 0 : index
        %swap3A_780 = tpu.vector_load %arg9[%swap3A_778, %swap3A_779] {strides = array<i32>} : memref<512x32xf32, #tpu.memory_space<vmem>>, vector<16xf32>,
        tpu.vector_store %arg9[%swap3A_778, %swap3A_779], %get3A_777 {add = true, strides = array<i32>} : memref<512x32xf32, #tpu.memory_space<vmem>>, vector<16xf32>,
        %get3A_781 = arith.index_cast %scan3A_774 : i32 to index
        %get3A_782 = arith.constant 16 : index
        %get3A_783 = tpu.vector_load %arg10[%get3A_781, %get3A_782] {strides = array<i32>} : memref<512x32xf32, #tpu.memory_space<vmem>>, vector<16xf32>,
        %swap3A_784 = arith.index_cast %scan3A_774 : i32 to index
        %swap3A_785 = arith.constant 16 : index
        %swap3A_786 = tpu.vector_load %arg9[%swap3A_784, %swap3A_785] {strides = array<i32>} : memref<512x32xf32, #tpu.memory_space<vmem>>, vector<16xf32>,
        tpu.vector_store %arg9[%swap3A_784, %swap3A_785], %get3A_783 {add = true, strides = array<i32>} : memref<512x32xf32, #tpu.memory_space<vmem>>, vector<16xf32>,
        %scan3A_787 = arith.constant 5 : i32
        %scan3A_788 = arith.addi %scan3A_720, %scan3A_787 : i32
        %get3A_789 = arith.index_cast %scan3A_788 : i32 to index
        %get3A_790 = arith.constant 0 : index
        %get3A_791 = tpu.vector_load %arg10[%get3A_789, %get3A_790] {strides = array<i32>} : memref<512x32xf32, #tpu.memory_space<vmem>>, vector<16xf32>,
        %swap3A_792 = arith.index_cast %scan3A_788 : i32 to index
        %swap3A_793 = arith.constant 0 : index
        %swap3A_794 = tpu.vector_load %arg9[%swap3A_792, %swap3A_793] {strides = array<i32>} : memref<512x32xf32, #tpu.memory_space<vmem>>, vector<16xf32>,
        tpu.vector_store %arg9[%swap3A_792, %swap3A_793], %get3A_791 {add = true, strides = array<i32>} : memref<512x32xf32, #tpu.memory_space<vmem>>, vector<16xf32>,
        %get3A_795 = arith.index_cast %scan3A_788 : i32 to index
        %get3A_796 = arith.constant 16 : index
        %get3A_797 = tpu.vector_load %arg10[%get3A_795, %get3A_796] {strides = array<i32>} : memref<512x32xf32, #tpu.memory_space<vmem>>, vector<16xf32>,
        %swap3A_798 = arith.index_cast %scan3A_788 : i32 to index
        %swap3A_799 = arith.constant 16 : index
        %swap3A_800 = tpu.vector_load %arg9[%swap3A_798, %swap3A_799] {strides = array<i32>} : memref<512x32xf32, #tpu.memory_space<vmem>>, vector<16xf32>,
        tpu.vector_store %arg9[%swap3A_798, %swap3A_799], %get3A_797 {add = true, strides = array<i32>} : memref<512x32xf32, #tpu.memory_space<vmem>>, vector<16xf32>,
        %scan3A_801 = arith.constant 6 : i32
        %scan3A_802 = arith.addi %scan3A_720, %scan3A_801 : i32
        %get3A_803 = arith.index_cast %scan3A_802 : i32 to index
        %get3A_804 = arith.constant 0 : index
        %get3A_805 = tpu.vector_load %arg10[%get3A_803, %get3A_804] {strides = array<i32>} : memref<512x32xf32, #tpu.memory_space<vmem>>, vector<16xf32>,
        %swap3A_806 = arith.index_cast %scan3A_802 : i32 to index
        %swap3A_807 = arith.constant 0 : index
        %swap3A_808 = tpu.vector_load %arg9[%swap3A_806, %swap3A_807] {strides = array<i32>} : memref<512x32xf32, #tpu.memory_space<vmem>>, vector<16xf32>,
        tpu.vector_store %arg9[%swap3A_806, %swap3A_807], %get3A_805 {add = true, strides = array<i32>} : memref<512x32xf32, #tpu.memory_space<vmem>>, vector<16xf32>,
        %get3A_809 = arith.index_cast %scan3A_802 : i32 to index
        %get3A_810 = arith.constant 16 : index
        %get3A_811 = tpu.vector_load %arg10[%get3A_809, %get3A_810] {strides = array<i32>} : memref<512x32xf32, #tpu.memory_space<vmem>>, vector<16xf32>,
        %swap3A_812 = arith.index_cast %scan3A_802 : i32 to index
        %swap3A_813 = arith.constant 16 : index
        %swap3A_814 = tpu.vector_load %arg9[%swap3A_812, %swap3A_813] {strides = array<i32>} : memref<512x32xf32, #tpu.memory_space<vmem>>, vector<16xf32>,
        tpu.vector_store %arg9[%swap3A_812, %swap3A_813], %get3A_811 {add = true, strides = array<i32>} : memref<512x32xf32, #tpu.memory_space<vmem>>, vector<16xf32>,
        %scan3A_815 = arith.constant 7 : i32
        %scan3A_816 = arith.addi %scan3A_720, %scan3A_815 : i32
        %get3A_817 = arith.index_cast %scan3A_816 : i32 to index
        %get3A_818 = arith.constant 0 : index
        %get3A_819 = tpu.vector_load %arg10[%get3A_817, %get3A_818] {strides = array<i32>} : memref<512x32xf32, #tpu.memory_space<vmem>>, vector<16xf32>,
        %swap3A_820 = arith.index_cast %scan3A_816 : i32 to index
        %swap3A_821 = arith.constant 0 : index
        %swap3A_822 = tpu.vector_load %arg9[%swap3A_820, %swap3A_821] {strides = array<i32>} : memref<512x32xf32, #tpu.memory_space<vmem>>, vector<16xf32>,
        tpu.vector_store %arg9[%swap3A_820, %swap3A_821], %get3A_819 {add = true, strides = array<i32>} : memref<512x32xf32, #tpu.memory_space<vmem>>, vector<16xf32>,
        %get3A_823 = arith.index_cast %scan3A_816 : i32 to index
        %get3A_824 = arith.constant 16 : index
        %get3A_825 = tpu.vector_load %arg10[%get3A_823, %get3A_824] {strides = array<i32>} : memref<512x32xf32, #tpu.memory_space<vmem>>, vector<16xf32>,
        %swap3A_826 = arith.index_cast %scan3A_816 : i32 to index
        %swap3A_827 = arith.constant 16 : index
        %swap3A_828 = tpu.vector_load %arg9[%swap3A_826, %swap3A_827] {strides = array<i32>} : memref<512x32xf32, #tpu.memory_space<vmem>>, vector<16xf32>,
        tpu.vector_store %arg9[%swap3A_826, %swap3A_827], %get3A_825 {add = true, strides = array<i32>} : memref<512x32xf32, #tpu.memory_space<vmem>>, vector<16xf32>,
      }
      %scan3A_444 = arith.constant 512 : i32
      %jit3A_445 = arith.constant 8 : i32
      %div3A_446 = arith.divsi %add3A_270, %jit3A_445 : i32
      %sign3A_447 = arith.constant 0 : i32
      %sign3A_448 = arith.cmpi sgt, %add3A_270, %sign3A_447 : i32
      %sign3A_449 = arith.extui %sign3A_448 : i1 to i32
      %sign3A_450 = arith.constant 0 : i32
      %sign3A_451 = arith.cmpi slt, %add3A_270, %sign3A_450 : i32
      %sign3A_452 = arith.extui %sign3A_451 : i1 to i32
      %sign3A_453 = arith.subi %sign3A_449, %sign3A_452 : i32
      %sign3A_454 = arith.constant 0 : i32
      %sign3A_455 = arith.cmpi sgt, %jit3A_445, %sign3A_454 : i32
      %sign3A_456 = arith.extui %sign3A_455 : i1 to i32
      %sign3A_457 = arith.constant 0 : i32
      %sign3A_458 = arith.cmpi slt, %jit3A_445, %sign3A_457 : i32
      %sign3A_459 = arith.extui %sign3A_458 : i1 to i32
      %sign3A_460 = arith.subi %sign3A_456, %sign3A_459 : i32
      %ne3A_461 = arith.cmpi ne, %sign3A_453, %sign3A_460 : i32
      %rem3A_462 = arith.remsi %add3A_270, %jit3A_445 : i32
      %ne3A_463 = arith.constant 0 : i32
      %ne3A_464 = arith.cmpi ne, %rem3A_462, %ne3A_463 : i32
      %and3A_465 = arith.andi %ne3A_461, %ne3A_464 : i1
      %sub3A_466 = arith.constant 1 : i32
      %sub3A_467 = arith.subi %div3A_446, %sub3A_466 : i32
      %select_n3A_468 = arith.select %and3A_465, %sub3A_467, %div3A_446 : i32
      %mul3A_469 = arith.constant 1024 : i32
      %mul3A_470 = arith.muli %select_n3A_468, %mul3A_469 : i32
      %jit3A_471 = arith.constant 2 : i32
      %eq3A_472 = arith.constant 0 : i32
      %eq3A_473 = arith.cmpi eq, %jit3A_471, %eq3A_472 : i32
      %jit3A_474 = arith.constant 1 : i32
      %select_n3A_475 = arith.select %eq3A_473, %jit3A_474, %jit3A_471 : i32
      %rem3A_476 = arith.remsi %add3A_270, %select_n3A_475 : i32
      %ne3A_477 = arith.constant 0 : i32
      %ne3A_478 = arith.cmpi ne, %rem3A_476, %ne3A_477 : i32
      %lt3A_479 = arith.constant 0 : i32
      %lt3A_480 = arith.cmpi slt, %rem3A_476, %lt3A_479 : i32
      %lt3A_481 = arith.constant 0 : i32
      %lt3A_482 = arith.cmpi slt, %select_n3A_475, %lt3A_481 : i32
      %ne3A_483 = arith.xori %lt3A_480, %lt3A_482 : i1
      %and3A_484 = arith.andi %ne3A_483, %ne3A_478 : i1
      %add3A_485 = arith.addi %rem3A_476, %select_n3A_475 : i32
      %select_n3A_486 = arith.select %and3A_484, %add3A_485, %rem3A_476 : i32
      %mul3A_487 = arith.constant 512 : i32
      %mul3A_488 = arith.muli %select_n3A_486, %mul3A_487 : i32
      %add3A_489 = arith.addi %mul3A_470, %mul3A_488 : i32
      %jit3A_490 = arith.constant 8 : i32
      %eq3A_491 = arith.constant 0 : i32
      %eq3A_492 = arith.cmpi eq, %jit3A_490, %eq3A_491 : i32
      %jit3A_493 = arith.constant 1 : i32
      %select_n3A_494 = arith.select %eq3A_492, %jit3A_493, %jit3A_490 : i32
      %rem3A_495 = arith.remsi %add3A_270, %select_n3A_494 : i32
      %ne3A_496 = arith.constant 0 : i32
      %ne3A_497 = arith.cmpi ne, %rem3A_495, %ne3A_496 : i32
      %lt3A_498 = arith.constant 0 : i32
      %lt3A_499 = arith.cmpi slt, %rem3A_495, %lt3A_498 : i32
      %lt3A_500 = arith.constant 0 : i32
      %lt3A_501 = arith.cmpi slt, %select_n3A_494, %lt3A_500 : i32
      %ne3A_502 = arith.xori %lt3A_499, %lt3A_501 : i1
      %and3A_503 = arith.andi %ne3A_502, %ne3A_497 : i1
      %add3A_504 = arith.addi %rem3A_495, %select_n3A_494 : i32
      %select_n3A_505 = arith.select %and3A_503, %add3A_504, %rem3A_495 : i32
      %jit3A_506 = arith.constant 2 : i32
      %div3A_507 = arith.divsi %select_n3A_505, %jit3A_506 : i32
      %sign3A_508 = arith.constant 0 : i32
      %sign3A_509 = arith.cmpi sgt, %select_n3A_505, %sign3A_508 : i32
      %sign3A_510 = arith.extui %sign3A_509 : i1 to i32
      %sign3A_511 = arith.constant 0 : i32
      %sign3A_512 = arith.cmpi slt, %select_n3A_505, %sign3A_511 : i32
      %sign3A_513 = arith.extui %sign3A_512 : i1 to i32
      %sign3A_514 = arith.subi %sign3A_510, %sign3A_513 : i32
      %sign3A_515 = arith.constant 0 : i32
      %sign3A_516 = arith.cmpi sgt, %jit3A_506, %sign3A_515 : i32
      %sign3A_517 = arith.extui %sign3A_516 : i1 to i32
      %sign3A_518 = arith.constant 0 : i32
      %sign3A_519 = arith.cmpi slt, %jit3A_506, %sign3A_518 : i32
      %sign3A_520 = arith.extui %sign3A_519 : i1 to i32
      %sign3A_521 = arith.subi %sign3A_517, %sign3A_520 : i32
      %ne3A_522 = arith.cmpi ne, %sign3A_514, %sign3A_521 : i32
      %rem3A_523 = arith.remsi %select_n3A_505, %jit3A_506 : i32
      %ne3A_524 = arith.constant 0 : i32
      %ne3A_525 = arith.cmpi ne, %rem3A_523, %ne3A_524 : i32
      %and3A_526 = arith.andi %ne3A_522, %ne3A_525 : i1
      %sub3A_527 = arith.constant 1 : i32
      %sub3A_528 = arith.subi %div3A_507, %sub3A_527 : i32
      %select_n3A_529 = arith.select %and3A_526, %sub3A_528, %div3A_507 : i32
      %mul3A_530 = arith.constant 32 : i32
      %mul3A_531 = arith.muli %select_n3A_529, %mul3A_530 : i32
      %dma_start3A_532 = tpu.memref_slice %arg6[%add3A_489, %mul3A_531] : memref<819200x128xf32, #tpu.memory_space<hbm>> -> memref<512x32xf32, #tpu.memory_space<hbm>>
      %dma_start3A_533 = tpu.memref_slice %arg6[%add3A_489, %mul3A_531] : memref<819200x128xf32, #tpu.memory_space<hbm>> -> memref<512x32xf32, #tpu.memory_space<hbm>>
      tpu.enqueue_dma source(%arg9 : memref<512x32xf32, #tpu.memory_space<vmem>>) target(%dma_start3A_533 : memref<512x32xf32, #tpu.memory_space<hbm>>) target_semaphore(%arg20 : memref<!tpu.dma_semaphore, #tpu.memory_space<semaphore_mem>>)
      %add3A_534 = arith.constant 1 : i32
      %add3A_535 = arith.addi %scan3A_267, %add3A_534 : i32
      %lt3A_536 = arith.constant 100 : i32
      %lt3A_537 = arith.cmpi slt, %add3A_535, %lt3A_536 : i32
      %convert_element_type3A_538 = arith.extui %lt3A_537 : i1 to i32
      %cond3A_539 = arith.constant 0 : i32
      %cond3A_540 = arith.cmpi ne, %convert_element_type3A_538, %cond3A_539 : i32
      scf.if %cond3A_540 {
        %jit3A_720 = arith.constant 8 : i32
        %div3A_721 = arith.divsi %add3A_270, %jit3A_720 : i32
        %sign3A_722 = arith.constant 0 : i32
        %sign3A_723 = arith.cmpi sgt, %add3A_270, %sign3A_722 : i32
        %sign3A_724 = arith.extui %sign3A_723 : i1 to i32
        %sign3A_725 = arith.constant 0 : i32
        %sign3A_726 = arith.cmpi slt, %add3A_270, %sign3A_725 : i32
        %sign3A_727 = arith.extui %sign3A_726 : i1 to i32
        %sign3A_728 = arith.subi %sign3A_724, %sign3A_727 : i32
        %sign3A_729 = arith.constant 0 : i32
        %sign3A_730 = arith.cmpi sgt, %jit3A_720, %sign3A_729 : i32
        %sign3A_731 = arith.extui %sign3A_730 : i1 to i32
        %sign3A_732 = arith.constant 0 : i32
        %sign3A_733 = arith.cmpi slt, %jit3A_720, %sign3A_732 : i32
        %sign3A_734 = arith.extui %sign3A_733 : i1 to i32
        %sign3A_735 = arith.subi %sign3A_731, %sign3A_734 : i32
        %ne3A_736 = arith.cmpi ne, %sign3A_728, %sign3A_735 : i32
        %rem3A_737 = arith.remsi %add3A_270, %jit3A_720 : i32
        %ne3A_738 = arith.constant 0 : i32
        %ne3A_739 = arith.cmpi ne, %rem3A_737, %ne3A_738 : i32
        %and3A_740 = arith.andi %ne3A_736, %ne3A_739 : i1
        %sub3A_741 = arith.constant 1 : i32
        %sub3A_742 = arith.subi %div3A_721, %sub3A_741 : i32
        %select_n3A_743 = arith.select %and3A_740, %sub3A_742, %div3A_721 : i32
        %mul3A_744 = arith.constant 1024 : i32
        %mul3A_745 = arith.muli %select_n3A_743, %mul3A_744 : i32
        %jit3A_746 = arith.constant 2 : i32
        %eq3A_747 = arith.constant 0 : i32
        %eq3A_748 = arith.cmpi eq, %jit3A_746, %eq3A_747 : i32
        %jit3A_749 = arith.constant 1 : i32
        %select_n3A_750 = arith.select %eq3A_748, %jit3A_749, %jit3A_746 : i32
        %rem3A_751 = arith.remsi %add3A_270, %select_n3A_750 : i32
        %ne3A_752 = arith.constant 0 : i32
        %ne3A_753 = arith.cmpi ne, %rem3A_751, %ne3A_752 : i32
        %lt3A_754 = arith.constant 0 : i32
        %lt3A_755 = arith.cmpi slt, %rem3A_751, %lt3A_754 : i32
        %lt3A_756 = arith.constant 0 : i32
        %lt3A_757 = arith.cmpi slt, %select_n3A_750, %lt3A_756 : i32
        %ne3A_758 = arith.xori %lt3A_755, %lt3A_757 : i1
        %and3A_759 = arith.andi %ne3A_758, %ne3A_753 : i1
        %add3A_760 = arith.addi %rem3A_751, %select_n3A_750 : i32
        %select_n3A_761 = arith.select %and3A_759, %add3A_760, %rem3A_751 : i32
        %mul3A_762 = arith.constant 512 : i32
        %mul3A_763 = arith.muli %select_n3A_761, %mul3A_762 : i32
        %add3A_764 = arith.addi %mul3A_745, %mul3A_763 : i32
        %jit3A_765 = arith.constant 8 : i32
        %eq3A_766 = arith.constant 0 : i32
        %eq3A_767 = arith.cmpi eq, %jit3A_765, %eq3A_766 : i32
        %jit3A_768 = arith.constant 1 : i32
        %select_n3A_769 = arith.select %eq3A_767, %jit3A_768, %jit3A_765 : i32
        %rem3A_770 = arith.remsi %add3A_270, %select_n3A_769 : i32
        %ne3A_771 = arith.constant 0 : i32
        %ne3A_772 = arith.cmpi ne, %rem3A_770, %ne3A_771 : i32
        %lt3A_773 = arith.constant 0 : i32
        %lt3A_774 = arith.cmpi slt, %rem3A_770, %lt3A_773 : i32
        %lt3A_775 = arith.constant 0 : i32
        %lt3A_776 = arith.cmpi slt, %select_n3A_769, %lt3A_775 : i32
        %ne3A_777 = arith.xori %lt3A_774, %lt3A_776 : i1
        %and3A_778 = arith.andi %ne3A_777, %ne3A_772 : i1
        %add3A_779 = arith.addi %rem3A_770, %select_n3A_769 : i32
        %select_n3A_780 = arith.select %and3A_778, %add3A_779, %rem3A_770 : i32
        %jit3A_781 = arith.constant 2 : i32
        %div3A_782 = arith.divsi %select_n3A_780, %jit3A_781 : i32
        %sign3A_783 = arith.constant 0 : i32
        %sign3A_784 = arith.cmpi sgt, %select_n3A_780, %sign3A_783 : i32
        %sign3A_785 = arith.extui %sign3A_784 : i1 to i32
        %sign3A_786 = arith.constant 0 : i32
        %sign3A_787 = arith.cmpi slt, %select_n3A_780, %sign3A_786 : i32
        %sign3A_788 = arith.extui %sign3A_787 : i1 to i32
        %sign3A_789 = arith.subi %sign3A_785, %sign3A_788 : i32
        %sign3A_790 = arith.constant 0 : i32
        %sign3A_791 = arith.cmpi sgt, %jit3A_781, %sign3A_790 : i32
        %sign3A_792 = arith.extui %sign3A_791 : i1 to i32
        %sign3A_793 = arith.constant 0 : i32
        %sign3A_794 = arith.cmpi slt, %jit3A_781, %sign3A_793 : i32
        %sign3A_795 = arith.extui %sign3A_794 : i1 to i32
        %sign3A_796 = arith.subi %sign3A_792, %sign3A_795 : i32
        %ne3A_797 = arith.cmpi ne, %sign3A_789, %sign3A_796 : i32
        %rem3A_798 = arith.remsi %select_n3A_780, %jit3A_781 : i32
        %ne3A_799 = arith.constant 0 : i32
        %ne3A_800 = arith.cmpi ne, %rem3A_798, %ne3A_799 : i32
        %and3A_801 = arith.andi %ne3A_797, %ne3A_800 : i1
        %sub3A_802 = arith.constant 1 : i32
        %sub3A_803 = arith.subi %div3A_782, %sub3A_802 : i32
        %select_n3A_804 = arith.select %and3A_801, %sub3A_803, %div3A_782 : i32
        %mul3A_805 = arith.constant 32 : i32
        %mul3A_806 = arith.muli %select_n3A_804, %mul3A_805 : i32
        %dma_wait3A_807 = tpu.memref_slice %arg6[%add3A_764, %mul3A_806] : memref<819200x128xf32, #tpu.memory_space<hbm>> -> memref<512x32xf32, #tpu.memory_space<hbm>>
        %dma_wait3A_808 = tpu.memref_slice %arg6[%add3A_764, %mul3A_806] : memref<819200x128xf32, #tpu.memory_space<hbm>> -> memref<512x32xf32, #tpu.memory_space<hbm>>
        tpu.wait_dma2 semaphore(%arg20 : memref<!tpu.dma_semaphore, #tpu.memory_space<semaphore_mem>>) src(%arg9 : memref<512x32xf32, #tpu.memory_space<vmem>>) dst(%dma_wait3A_808 : memref<512x32xf32, #tpu.memory_space<hbm>>)
        %add3A_809 = arith.constant 2 : i32
        %add3A_810 = arith.addi %add3A_270, %add3A_809 : i32
        %mul3A_811 = arith.constant 4 : i32
        %mul3A_812 = arith.muli %add3A_810, %mul3A_811 : i32
        "tpu.region"() ({
          %run_scoped3A = tpu.sem_alloc : memref<!tpu.dma_semaphore, #tpu.memory_space<semaphore_mem>>
          %dma_start3A_893 = arith.constant 0 : i32
          %dma_start3A_894 = tpu.memref_slice %arg2[%mul3A_812, %dma_start3A_893] : memref<25600x128xi32, #tpu.memory_space<hbm>> -> memref<4x128xi32, #tpu.memory_space<hbm>>
          %dma_start3A_895 = arith.constant 0 : i32
          %dma_start3A_896 = tpu.memref_slice %arg2[%mul3A_812, %dma_start3A_895] : memref<25600x128xi32, #tpu.memory_space<hbm>> -> memref<4x128xi32, #tpu.memory_space<hbm>>
          tpu.enqueue_dma source(%dma_start3A_896 : memref<4x128xi32, #tpu.memory_space<hbm>>) target(%arg7 : memref<4x128xi32, #tpu.memory_space<vmem>>) target_semaphore(%run_scoped3A : memref<!tpu.dma_semaphore, #tpu.memory_space<semaphore_mem>>)
          %dma_wait3A_897 = arith.constant 0 : i32
          %dma_wait3A_898 = tpu.memref_slice %arg2[%mul3A_812, %dma_wait3A_897] : memref<25600x128xi32, #tpu.memory_space<hbm>> -> memref<4x128xi32, #tpu.memory_space<hbm>>
          %dma_wait3A_899 = arith.constant 0 : i32
          %dma_wait3A_900 = tpu.memref_slice %arg2[%mul3A_812, %dma_wait3A_899] : memref<25600x128xi32, #tpu.memory_space<hbm>> -> memref<4x128xi32, #tpu.memory_space<hbm>>
          tpu.wait_dma2 semaphore(%run_scoped3A : memref<!tpu.dma_semaphore, #tpu.memory_space<semaphore_mem>>) src(%dma_wait3A_900 : memref<4x128xi32, #tpu.memory_space<hbm>>) dst(%arg7 : memref<4x128xi32, #tpu.memory_space<vmem>>)
          tpu.yield
        }) : () -> ()
        "tpu.region"() ({
          %run_scoped3A = tpu.sem_alloc : memref<!tpu.dma_semaphore, #tpu.memory_space<semaphore_mem>>
          %dma_start3A_893 = arith.constant 0 : i32
          %dma_start3A_894 = tpu.memref_slice %arg3[%mul3A_812, %dma_start3A_893] : memref<25600x128xi32, #tpu.memory_space<hbm>> -> memref<4x128xi32, #tpu.memory_space<hbm>>
          %dma_start3A_895 = arith.constant 0 : i32
          %dma_start3A_896 = tpu.memref_slice %arg3[%mul3A_812, %dma_start3A_895] : memref<25600x128xi32, #tpu.memory_space<hbm>> -> memref<4x128xi32, #tpu.memory_space<hbm>>
          tpu.enqueue_dma source(%dma_start3A_896 : memref<4x128xi32, #tpu.memory_space<hbm>>) target(%arg8 : memref<4x128xi32, #tpu.memory_space<vmem>>) target_semaphore(%run_scoped3A : memref<!tpu.dma_semaphore, #tpu.memory_space<semaphore_mem>>)
          %dma_wait3A_897 = arith.constant 0 : i32
          %dma_wait3A_898 = tpu.memref_slice %arg3[%mul3A_812, %dma_wait3A_897] : memref<25600x128xi32, #tpu.memory_space<hbm>> -> memref<4x128xi32, #tpu.memory_space<hbm>>
          %dma_wait3A_899 = arith.constant 0 : i32
          %dma_wait3A_900 = tpu.memref_slice %arg3[%mul3A_812, %dma_wait3A_899] : memref<25600x128xi32, #tpu.memory_space<hbm>> -> memref<4x128xi32, #tpu.memory_space<hbm>>
          tpu.wait_dma2 semaphore(%run_scoped3A : memref<!tpu.dma_semaphore, #tpu.memory_space<semaphore_mem>>) src(%dma_wait3A_900 : memref<4x128xi32, #tpu.memory_space<hbm>>) dst(%arg8 : memref<4x128xi32, #tpu.memory_space<vmem>>)
          tpu.yield
        }) : () -> ()
        %dma_start3A_813 = arith.constant 0 : i32
        %dma_start3A_814 = arith.constant 0 : i32
        %dma_start3A_815 = arith.constant 0 : i32
        %dma_start3A_816 = tpu.memref_slice %arg9[%dma_start3A_814, %dma_start3A_815] : memref<512x32xf32, #tpu.memory_space<vmem>> -> memref<128x32xf32, #tpu.memory_space<vmem>>
        %dma_start3A_817 = arith.constant 0 : i32
        %dma_start3A_818 = tpu.memref_slice %arg7[%dma_start3A_813, %dma_start3A_817] : memref<4x128xi32, #tpu.memory_space<vmem>> -> memref<1x128xi32, #tpu.memory_space<vmem>>
        %dma_start3A_819 = tpu.memref_squeeze %dma_start3A_818 : memref<1x128xi32, #tpu.memory_space<vmem>> -> memref<128xi32, #tpu.memory_space<vmem>>
        %dma_start3A_820 = arith.constant 0 : i32
        %dma_start3A_821 = arith.constant 0 : i32
        %dma_start3A_822 = tpu.memref_slice %arg4[%dma_start3A_820, %dma_start3A_821] : memref<1015808x32xf32, #tpu.memory_space<hbm>> -> memref<1015808x32xf32, #tpu.memory_space<hbm>>
        tpu.enqueue_indirect_dma source(%dma_start3A_822 : memref<1015808x32xf32, #tpu.memory_space<hbm>>) target(%dma_start3A_816 : memref<128x32xf32, #tpu.memory_space<vmem>>) offsets(%dma_start3A_819 : memref<128xi32, #tpu.memory_space<vmem>>) semaphore(%arg16 : memref<!tpu.dma_semaphore, #tpu.memory_space<semaphore_mem>>)
        %dma_start3A_823 = arith.constant 0 : i32
        %dma_start3A_824 = arith.constant 0 : i32
        %dma_start3A_825 = arith.constant 0 : i32
        %dma_start3A_826 = tpu.memref_slice %arg10[%dma_start3A_824, %dma_start3A_825] : memref<512x32xf32, #tpu.memory_space<vmem>> -> memref<128x32xf32, #tpu.memory_space<vmem>>
        %dma_start3A_827 = arith.constant 0 : i32
        %dma_start3A_828 = tpu.memref_slice %arg8[%dma_start3A_823, %dma_start3A_827] : memref<4x128xi32, #tpu.memory_space<vmem>> -> memref<1x128xi32, #tpu.memory_space<vmem>>
        %dma_start3A_829 = tpu.memref_squeeze %dma_start3A_828 : memref<1x128xi32, #tpu.memory_space<vmem>> -> memref<128xi32, #tpu.memory_space<vmem>>
        %dma_start3A_830 = arith.constant 0 : i32
        %dma_start3A_831 = arith.constant 0 : i32
        %dma_start3A_832 = tpu.memref_slice %arg15[%dma_start3A_830, %dma_start3A_831] : memref<1000x32xf32, #tpu.memory_space<vmem_shared>> -> memref<1000x32xf32, #tpu.memory_space<vmem_shared>>
        tpu.enqueue_indirect_dma source(%dma_start3A_832 : memref<1000x32xf32, #tpu.memory_space<vmem_shared>>) target(%dma_start3A_826 : memref<128x32xf32, #tpu.memory_space<vmem>>) offsets(%dma_start3A_829 : memref<128xi32, #tpu.memory_space<vmem>>) semaphore(%arg17 : memref<!tpu.dma_semaphore, #tpu.memory_space<semaphore_mem>>)
        %dma_start3A_833 = arith.constant 1 : i32
        %dma_start3A_834 = arith.constant 128 : i32
        %dma_start3A_835 = arith.constant 0 : i32
        %dma_start3A_836 = tpu.memref_slice %arg9[%dma_start3A_834, %dma_start3A_835] : memref<512x32xf32, #tpu.memory_space<vmem>> -> memref<128x32xf32, #tpu.memory_space<vmem>>
        %dma_start3A_837 = arith.constant 0 : i32
        %dma_start3A_838 = tpu.memref_slice %arg7[%dma_start3A_833, %dma_start3A_837] : memref<4x128xi32, #tpu.memory_space<vmem>> -> memref<1x128xi32, #tpu.memory_space<vmem>>
        %dma_start3A_839 = tpu.memref_squeeze %dma_start3A_838 : memref<1x128xi32, #tpu.memory_space<vmem>> -> memref<128xi32, #tpu.memory_space<vmem>>
        %dma_start3A_840 = arith.constant 0 : i32
        %dma_start3A_841 = arith.constant 0 : i32
        %dma_start3A_842 = tpu.memref_slice %arg4[%dma_start3A_840, %dma_start3A_841] : memref<1015808x32xf32, #tpu.memory_space<hbm>> -> memref<1015808x32xf32, #tpu.memory_space<hbm>>
        tpu.enqueue_indirect_dma source(%dma_start3A_842 : memref<1015808x32xf32, #tpu.memory_space<hbm>>) target(%dma_start3A_836 : memref<128x32xf32, #tpu.memory_space<vmem>>) offsets(%dma_start3A_839 : memref<128xi32, #tpu.memory_space<vmem>>) semaphore(%arg16 : memref<!tpu.dma_semaphore, #tpu.memory_space<semaphore_mem>>)
        %dma_start3A_843 = arith.constant 1 : i32
        %dma_start3A_844 = arith.constant 128 : i32
        %dma_start3A_845 = arith.constant 0 : i32
        %dma_start3A_846 = tpu.memref_slice %arg10[%dma_start3A_844, %dma_start3A_845] : memref<512x32xf32, #tpu.memory_space<vmem>> -> memref<128x32xf32, #tpu.memory_space<vmem>>
        %dma_start3A_847 = arith.constant 0 : i32
        %dma_start3A_848 = tpu.memref_slice %arg8[%dma_start3A_843, %dma_start3A_847] : memref<4x128xi32, #tpu.memory_space<vmem>> -> memref<1x128xi32, #tpu.memory_space<vmem>>
        %dma_start3A_849 = tpu.memref_squeeze %dma_start3A_848 : memref<1x128xi32, #tpu.memory_space<vmem>> -> memref<128xi32, #tpu.memory_space<vmem>>
        %dma_start3A_850 = arith.constant 0 : i32
        %dma_start3A_851 = arith.constant 0 : i32
        %dma_start3A_852 = tpu.memref_slice %arg15[%dma_start3A_850, %dma_start3A_851] : memref<1000x32xf32, #tpu.memory_space<vmem_shared>> -> memref<1000x32xf32, #tpu.memory_space<vmem_shared>>
        tpu.enqueue_indirect_dma source(%dma_start3A_852 : memref<1000x32xf32, #tpu.memory_space<vmem_shared>>) target(%dma_start3A_846 : memref<128x32xf32, #tpu.memory_space<vmem>>) offsets(%dma_start3A_849 : memref<128xi32, #tpu.memory_space<vmem>>) semaphore(%arg17 : memref<!tpu.dma_semaphore, #tpu.memory_space<semaphore_mem>>)
        %dma_start3A_853 = arith.constant 2 : i32
        %dma_start3A_854 = arith.constant 256 : i32
        %dma_start3A_855 = arith.constant 0 : i32
        %dma_start3A_856 = tpu.memref_slice %arg9[%dma_start3A_854, %dma_start3A_855] : memref<512x32xf32, #tpu.memory_space<vmem>> -> memref<128x32xf32, #tpu.memory_space<vmem>>
        %dma_start3A_857 = arith.constant 0 : i32
        %dma_start3A_858 = tpu.memref_slice %arg7[%dma_start3A_853, %dma_start3A_857] : memref<4x128xi32, #tpu.memory_space<vmem>> -> memref<1x128xi32, #tpu.memory_space<vmem>>
        %dma_start3A_859 = tpu.memref_squeeze %dma_start3A_858 : memref<1x128xi32, #tpu.memory_space<vmem>> -> memref<128xi32, #tpu.memory_space<vmem>>
        %dma_start3A_860 = arith.constant 0 : i32
        %dma_start3A_861 = arith.constant 0 : i32
        %dma_start3A_862 = tpu.memref_slice %arg4[%dma_start3A_860, %dma_start3A_861] : memref<1015808x32xf32, #tpu.memory_space<hbm>> -> memref<1015808x32xf32, #tpu.memory_space<hbm>>
        tpu.enqueue_indirect_dma source(%dma_start3A_862 : memref<1015808x32xf32, #tpu.memory_space<hbm>>) target(%dma_start3A_856 : memref<128x32xf32, #tpu.memory_space<vmem>>) offsets(%dma_start3A_859 : memref<128xi32, #tpu.memory_space<vmem>>) semaphore(%arg16 : memref<!tpu.dma_semaphore, #tpu.memory_space<semaphore_mem>>)
        %dma_start3A_863 = arith.constant 2 : i32
        %dma_start3A_864 = arith.constant 256 : i32
        %dma_start3A_865 = arith.constant 0 : i32
        %dma_start3A_866 = tpu.memref_slice %arg10[%dma_start3A_864, %dma_start3A_865] : memref<512x32xf32, #tpu.memory_space<vmem>> -> memref<128x32xf32, #tpu.memory_space<vmem>>
        %dma_start3A_867 = arith.constant 0 : i32
        %dma_start3A_868 = tpu.memref_slice %arg8[%dma_start3A_863, %dma_start3A_867] : memref<4x128xi32, #tpu.memory_space<vmem>> -> memref<1x128xi32, #tpu.memory_space<vmem>>
        %dma_start3A_869 = tpu.memref_squeeze %dma_start3A_868 : memref<1x128xi32, #tpu.memory_space<vmem>> -> memref<128xi32, #tpu.memory_space<vmem>>
        %dma_start3A_870 = arith.constant 0 : i32
        %dma_start3A_871 = arith.constant 0 : i32
        %dma_start3A_872 = tpu.memref_slice %arg15[%dma_start3A_870, %dma_start3A_871] : memref<1000x32xf32, #tpu.memory_space<vmem_shared>> -> memref<1000x32xf32, #tpu.memory_space<vmem_shared>>
        tpu.enqueue_indirect_dma source(%dma_start3A_872 : memref<1000x32xf32, #tpu.memory_space<vmem_shared>>) target(%dma_start3A_866 : memref<128x32xf32, #tpu.memory_space<vmem>>) offsets(%dma_start3A_869 : memref<128xi32, #tpu.memory_space<vmem>>) semaphore(%arg17 : memref<!tpu.dma_semaphore, #tpu.memory_space<semaphore_mem>>)
        %dma_start3A_873 = arith.constant 3 : i32
        %dma_start3A_874 = arith.constant 384 : i32
        %dma_start3A_875 = arith.constant 0 : i32
        %dma_start3A_876 = tpu.memref_slice %arg9[%dma_start3A_874, %dma_start3A_875] : memref<512x32xf32, #tpu.memory_space<vmem>> -> memref<128x32xf32, #tpu.memory_space<vmem>>
        %dma_start3A_877 = arith.constant 0 : i32
        %dma_start3A_878 = tpu.memref_slice %arg7[%dma_start3A_873, %dma_start3A_877] : memref<4x128xi32, #tpu.memory_space<vmem>> -> memref<1x128xi32, #tpu.memory_space<vmem>>
        %dma_start3A_879 = tpu.memref_squeeze %dma_start3A_878 : memref<1x128xi32, #tpu.memory_space<vmem>> -> memref<128xi32, #tpu.memory_space<vmem>>
        %dma_start3A_880 = arith.constant 0 : i32
        %dma_start3A_881 = arith.constant 0 : i32
        %dma_start3A_882 = tpu.memref_slice %arg4[%dma_start3A_880, %dma_start3A_881] : memref<1015808x32xf32, #tpu.memory_space<hbm>> -> memref<1015808x32xf32, #tpu.memory_space<hbm>>
        tpu.enqueue_indirect_dma source(%dma_start3A_882 : memref<1015808x32xf32, #tpu.memory_space<hbm>>) target(%dma_start3A_876 : memref<128x32xf32, #tpu.memory_space<vmem>>) offsets(%dma_start3A_879 : memref<128xi32, #tpu.memory_space<vmem>>) semaphore(%arg16 : memref<!tpu.dma_semaphore, #tpu.memory_space<semaphore_mem>>)
        %dma_start3A_883 = arith.constant 3 : i32
        %dma_start3A_884 = arith.constant 384 : i32
        %dma_start3A_885 = arith.constant 0 : i32
        %dma_start3A_886 = tpu.memref_slice %arg10[%dma_start3A_884, %dma_start3A_885] : memref<512x32xf32, #tpu.memory_space<vmem>> -> memref<128x32xf32, #tpu.memory_space<vmem>>
        %dma_start3A_887 = arith.constant 0 : i32
        %dma_start3A_888 = tpu.memref_slice %arg8[%dma_start3A_883, %dma_start3A_887] : memref<4x128xi32, #tpu.memory_space<vmem>> -> memref<1x128xi32, #tpu.memory_space<vmem>>
        %dma_start3A_889 = tpu.memref_squeeze %dma_start3A_888 : memref<1x128xi32, #tpu.memory_space<vmem>> -> memref<128xi32, #tpu.memory_space<vmem>>
        %dma_start3A_890 = arith.constant 0 : i32
        %dma_start3A_891 = arith.constant 0 : i32
        %dma_start3A_892 = tpu.memref_slice %arg15[%dma_start3A_890, %dma_start3A_891] : memref<1000x32xf32, #tpu.memory_space<vmem_shared>> -> memref<1000x32xf32, #tpu.memory_space<vmem_shared>>
        tpu.enqueue_indirect_dma source(%dma_start3A_892 : memref<1000x32xf32, #tpu.memory_space<vmem_shared>>) target(%dma_start3A_886 : memref<128x32xf32, #tpu.memory_space<vmem>>) offsets(%dma_start3A_889 : memref<128xi32, #tpu.memory_space<vmem>>) semaphore(%arg17 : memref<!tpu.dma_semaphore, #tpu.memory_space<semaphore_mem>>)
      } else {
      }
      %add3A_541 = arith.constant 1 : i32
      %add3A_542 = arith.addi %add3A_270, %add3A_541 : i32
      %dma_wait3A_543 = arith.constant 0 : i32
      %dma_wait3A_544 = arith.constant 0 : i32
      %dma_wait3A_545 = arith.constant 0 : i32
      %dma_wait3A_546 = tpu.memref_slice %arg13[%dma_wait3A_544, %dma_wait3A_545] : memref<512x32xf32, #tpu.memory_space<vmem>> -> memref<128x32xf32, #tpu.memory_space<vmem>>
      %dma_wait3A_547 = arith.constant 0 : i32
      %dma_wait3A_548 = tpu.memref_slice %arg11[%dma_wait3A_543, %dma_wait3A_547] : memref<4x128xi32, #tpu.memory_space<vmem>> -> memref<1x128xi32, #tpu.memory_space<vmem>>
      %dma_wait3A_549 = tpu.memref_squeeze %dma_wait3A_548 : memref<1x128xi32, #tpu.memory_space<vmem>> -> memref<128xi32, #tpu.memory_space<vmem>>
      %dma_wait3A_550 = arith.constant 0 : i32
      %dma_wait3A_551 = arith.constant 0 : i32
      %dma_wait3A_552 = tpu.memref_slice %arg4[%dma_wait3A_550, %dma_wait3A_551] : memref<1015808x32xf32, #tpu.memory_space<hbm>> -> memref<1015808x32xf32, #tpu.memory_space<hbm>>
      tpu.wait_indirect_dma semaphore(%arg18 : memref<!tpu.dma_semaphore, #tpu.memory_space<semaphore_mem>>) src(%dma_wait3A_552 : memref<1015808x32xf32, #tpu.memory_space<hbm>>) dst(%dma_wait3A_546 : memref<128x32xf32, #tpu.memory_space<vmem>>)
      %dma_wait3A_553 = arith.constant 0 : i32
      %dma_wait3A_554 = arith.constant 0 : i32
      %dma_wait3A_555 = arith.constant 0 : i32
      %dma_wait3A_556 = tpu.memref_slice %arg14[%dma_wait3A_554, %dma_wait3A_555] : memref<512x32xf32, #tpu.memory_space<vmem>> -> memref<128x32xf32, #tpu.memory_space<vmem>>
      %dma_wait3A_557 = arith.constant 0 : i32
      %dma_wait3A_558 = tpu.memref_slice %arg12[%dma_wait3A_553, %dma_wait3A_557] : memref<4x128xi32, #tpu.memory_space<vmem>> -> memref<1x128xi32, #tpu.memory_space<vmem>>
      %dma_wait3A_559 = tpu.memref_squeeze %dma_wait3A_558 : memref<1x128xi32, #tpu.memory_space<vmem>> -> memref<128xi32, #tpu.memory_space<vmem>>
      %dma_wait3A_560 = arith.constant 0 : i32
      %dma_wait3A_561 = arith.constant 0 : i32
      %dma_wait3A_562 = tpu.memref_slice %arg15[%dma_wait3A_560, %dma_wait3A_561] : memref<1000x32xf32, #tpu.memory_space<vmem_shared>> -> memref<1000x32xf32, #tpu.memory_space<vmem_shared>>
      tpu.wait_indirect_dma semaphore(%arg19 : memref<!tpu.dma_semaphore, #tpu.memory_space<semaphore_mem>>) src(%dma_wait3A_562 : memref<1000x32xf32, #tpu.memory_space<vmem_shared>>) dst(%dma_wait3A_556 : memref<128x32xf32, #tpu.memory_space<vmem>>)
      %dma_wait3A_563 = arith.constant 1 : i32
      %dma_wait3A_564 = arith.constant 128 : i32
      %dma_wait3A_565 = arith.constant 0 : i32
      %dma_wait3A_566 = tpu.memref_slice %arg13[%dma_wait3A_564, %dma_wait3A_565] : memref<512x32xf32, #tpu.memory_space<vmem>> -> memref<128x32xf32, #tpu.memory_space<vmem>>
      %dma_wait3A_567 = arith.constant 0 : i32
      %dma_wait3A_568 = tpu.memref_slice %arg11[%dma_wait3A_563, %dma_wait3A_567] : memref<4x128xi32, #tpu.memory_space<vmem>> -> memref<1x128xi32, #tpu.memory_space<vmem>>
      %dma_wait3A_569 = tpu.memref_squeeze %dma_wait3A_568 : memref<1x128xi32, #tpu.memory_space<vmem>> -> memref<128xi32, #tpu.memory_space<vmem>>
      %dma_wait3A_570 = arith.constant 0 : i32
      %dma_wait3A_571 = arith.constant 0 : i32
      %dma_wait3A_572 = tpu.memref_slice %arg4[%dma_wait3A_570, %dma_wait3A_571] : memref<1015808x32xf32, #tpu.memory_space<hbm>> -> memref<1015808x32xf32, #tpu.memory_space<hbm>>
      tpu.wait_indirect_dma semaphore(%arg18 : memref<!tpu.dma_semaphore, #tpu.memory_space<semaphore_mem>>) src(%dma_wait3A_572 : memref<1015808x32xf32, #tpu.memory_space<hbm>>) dst(%dma_wait3A_566 : memref<128x32xf32, #tpu.memory_space<vmem>>)
      %dma_wait3A_573 = arith.constant 1 : i32
      %dma_wait3A_574 = arith.constant 128 : i32
      %dma_wait3A_575 = arith.constant 0 : i32
      %dma_wait3A_576 = tpu.memref_slice %arg14[%dma_wait3A_574, %dma_wait3A_575] : memref<512x32xf32, #tpu.memory_space<vmem>> -> memref<128x32xf32, #tpu.memory_space<vmem>>
      %dma_wait3A_577 = arith.constant 0 : i32
      %dma_wait3A_578 = tpu.memref_slice %arg12[%dma_wait3A_573, %dma_wait3A_577] : memref<4x128xi32, #tpu.memory_space<vmem>> -> memref<1x128xi32, #tpu.memory_space<vmem>>
      %dma_wait3A_579 = tpu.memref_squeeze %dma_wait3A_578 : memref<1x128xi32, #tpu.memory_space<vmem>> -> memref<128xi32, #tpu.memory_space<vmem>>
      %dma_wait3A_580 = arith.constant 0 : i32
      %dma_wait3A_581 = arith.constant 0 : i32
      %dma_wait3A_582 = tpu.memref_slice %arg15[%dma_wait3A_580, %dma_wait3A_581] : memref<1000x32xf32, #tpu.memory_space<vmem_shared>> -> memref<1000x32xf32, #tpu.memory_space<vmem_shared>>
      tpu.wait_indirect_dma semaphore(%arg19 : memref<!tpu.dma_semaphore, #tpu.memory_space<semaphore_mem>>) src(%dma_wait3A_582 : memref<1000x32xf32, #tpu.memory_space<vmem_shared>>) dst(%dma_wait3A_576 : memref<128x32xf32, #tpu.memory_space<vmem>>)
      %dma_wait3A_583 = arith.constant 2 : i32
      %dma_wait3A_584 = arith.constant 256 : i32
      %dma_wait3A_585 = arith.constant 0 : i32
      %dma_wait3A_586 = tpu.memref_slice %arg13[%dma_wait3A_584, %dma_wait3A_585] : memref<512x32xf32, #tpu.memory_space<vmem>> -> memref<128x32xf32, #tpu.memory_space<vmem>>
      %dma_wait3A_587 = arith.constant 0 : i32
      %dma_wait3A_588 = tpu.memref_slice %arg11[%dma_wait3A_583, %dma_wait3A_587] : memref<4x128xi32, #tpu.memory_space<vmem>> -> memref<1x128xi32, #tpu.memory_space<vmem>>
      %dma_wait3A_589 = tpu.memref_squeeze %dma_wait3A_588 : memref<1x128xi32, #tpu.memory_space<vmem>> -> memref<128xi32, #tpu.memory_space<vmem>>
      %dma_wait3A_590 = arith.constant 0 : i32
      %dma_wait3A_591 = arith.constant 0 : i32
      %dma_wait3A_592 = tpu.memref_slice %arg4[%dma_wait3A_590, %dma_wait3A_591] : memref<1015808x32xf32, #tpu.memory_space<hbm>> -> memref<1015808x32xf32, #tpu.memory_space<hbm>>
      tpu.wait_indirect_dma semaphore(%arg18 : memref<!tpu.dma_semaphore, #tpu.memory_space<semaphore_mem>>) src(%dma_wait3A_592 : memref<1015808x32xf32, #tpu.memory_space<hbm>>) dst(%dma_wait3A_586 : memref<128x32xf32, #tpu.memory_space<vmem>>)
      %dma_wait3A_593 = arith.constant 2 : i32
      %dma_wait3A_594 = arith.constant 256 : i32
      %dma_wait3A_595 = arith.constant 0 : i32
      %dma_wait3A_596 = tpu.memref_slice %arg14[%dma_wait3A_594, %dma_wait3A_595] : memref<512x32xf32, #tpu.memory_space<vmem>> -> memref<128x32xf32, #tpu.memory_space<vmem>>
      %dma_wait3A_597 = arith.constant 0 : i32
      %dma_wait3A_598 = tpu.memref_slice %arg12[%dma_wait3A_593, %dma_wait3A_597] : memref<4x128xi32, #tpu.memory_space<vmem>> -> memref<1x128xi32, #tpu.memory_space<vmem>>
      %dma_wait3A_599 = tpu.memref_squeeze %dma_wait3A_598 : memref<1x128xi32, #tpu.memory_space<vmem>> -> memref<128xi32, #tpu.memory_space<vmem>>
      %dma_wait3A_600 = arith.constant 0 : i32
      %dma_wait3A_601 = arith.constant 0 : i32
      %dma_wait3A_602 = tpu.memref_slice %arg15[%dma_wait3A_600, %dma_wait3A_601] : memref<1000x32xf32, #tpu.memory_space<vmem_shared>> -> memref<1000x32xf32, #tpu.memory_space<vmem_shared>>
      tpu.wait_indirect_dma semaphore(%arg19 : memref<!tpu.dma_semaphore, #tpu.memory_space<semaphore_mem>>) src(%dma_wait3A_602 : memref<1000x32xf32, #tpu.memory_space<vmem_shared>>) dst(%dma_wait3A_596 : memref<128x32xf32, #tpu.memory_space<vmem>>)
      %dma_wait3A_603 = arith.constant 3 : i32
      %dma_wait3A_604 = arith.constant 384 : i32
      %dma_wait3A_605 = arith.constant 0 : i32
      %dma_wait3A_606 = tpu.memref_slice %arg13[%dma_wait3A_604, %dma_wait3A_605] : memref<512x32xf32, #tpu.memory_space<vmem>> -> memref<128x32xf32, #tpu.memory_space<vmem>>
      %dma_wait3A_607 = arith.constant 0 : i32
      %dma_wait3A_608 = tpu.memref_slice %arg11[%dma_wait3A_603, %dma_wait3A_607] : memref<4x128xi32, #tpu.memory_space<vmem>> -> memref<1x128xi32, #tpu.memory_space<vmem>>
      %dma_wait3A_609 = tpu.memref_squeeze %dma_wait3A_608 : memref<1x128xi32, #tpu.memory_space<vmem>> -> memref<128xi32, #tpu.memory_space<vmem>>
      %dma_wait3A_610 = arith.constant 0 : i32
      %dma_wait3A_611 = arith.constant 0 : i32
      %dma_wait3A_612 = tpu.memref_slice %arg4[%dma_wait3A_610, %dma_wait3A_611] : memref<1015808x32xf32, #tpu.memory_space<hbm>> -> memref<1015808x32xf32, #tpu.memory_space<hbm>>
      tpu.wait_indirect_dma semaphore(%arg18 : memref<!tpu.dma_semaphore, #tpu.memory_space<semaphore_mem>>) src(%dma_wait3A_612 : memref<1015808x32xf32, #tpu.memory_space<hbm>>) dst(%dma_wait3A_606 : memref<128x32xf32, #tpu.memory_space<vmem>>)
      %dma_wait3A_613 = arith.constant 3 : i32
      %dma_wait3A_614 = arith.constant 384 : i32
      %dma_wait3A_615 = arith.constant 0 : i32
      %dma_wait3A_616 = tpu.memref_slice %arg14[%dma_wait3A_614, %dma_wait3A_615] : memref<512x32xf32, #tpu.memory_space<vmem>> -> memref<128x32xf32, #tpu.memory_space<vmem>>
      %dma_wait3A_617 = arith.constant 0 : i32
      %dma_wait3A_618 = tpu.memref_slice %arg12[%dma_wait3A_613, %dma_wait3A_617] : memref<4x128xi32, #tpu.memory_space<vmem>> -> memref<1x128xi32, #tpu.memory_space<vmem>>
      %dma_wait3A_619 = tpu.memref_squeeze %dma_wait3A_618 : memref<1x128xi32, #tpu.memory_space<vmem>> -> memref<128xi32, #tpu.memory_space<vmem>>
      %dma_wait3A_620 = arith.constant 0 : i32
      %dma_wait3A_621 = arith.constant 0 : i32
      %dma_wait3A_622 = tpu.memref_slice %arg15[%dma_wait3A_620, %dma_wait3A_621] : memref<1000x32xf32, #tpu.memory_space<vmem_shared>> -> memref<1000x32xf32, #tpu.memory_space<vmem_shared>>
      tpu.wait_indirect_dma semaphore(%arg19 : memref<!tpu.dma_semaphore, #tpu.memory_space<semaphore_mem>>) src(%dma_wait3A_622 : memref<1000x32xf32, #tpu.memory_space<vmem_shared>>) dst(%dma_wait3A_616 : memref<128x32xf32, #tpu.memory_space<vmem>>)
      %add3A_623 = arith.constant 1 : i32
      %add3A_624 = arith.addi %add3A_270, %add3A_623 : i32
      %scan3A_625 = arith.constant 0 : i32
      %scan3A_626 = arith.constant 0 : i32
      %scan3A_627 = arith.constant 512 : i32
      %scan3A_628 = arith.addi %scan3A_626, %scan3A_627 : i32
      %scan3A_629 = arith.constant 8 : i32
      scf.for %scan3A_720 = %scan3A_626 to %scan3A_628 step %scan3A_629  : i32 {
        %get3A = arith.index_cast %scan3A_720 : i32 to index
        %get3A_721 = arith.constant 0 : index
        %get3A_722 = tpu.vector_load %arg14[%get3A, %get3A_721] {strides = array<i32>} : memref<512x32xf32, #tpu.memory_space<vmem>>, vector<16xf32>,
        %swap3A = arith.index_cast %scan3A_720 : i32 to index
        %swap3A_723 = arith.constant 0 : index
        %swap3A_724 = tpu.vector_load %arg13[%swap3A, %swap3A_723] {strides = array<i32>} : memref<512x32xf32, #tpu.memory_space<vmem>>, vector<16xf32>,
        tpu.vector_store %arg13[%swap3A, %swap3A_723], %get3A_722 {add = true, strides = array<i32>} : memref<512x32xf32, #tpu.memory_space<vmem>>, vector<16xf32>,
        %get3A_725 = arith.index_cast %scan3A_720 : i32 to index
        %get3A_726 = arith.constant 16 : index
        %get3A_727 = tpu.vector_load %arg14[%get3A_725, %get3A_726] {strides = array<i32>} : memref<512x32xf32, #tpu.memory_space<vmem>>, vector<16xf32>,
        %swap3A_728 = arith.index_cast %scan3A_720 : i32 to index
        %swap3A_729 = arith.constant 16 : index
        %swap3A_730 = tpu.vector_load %arg13[%swap3A_728, %swap3A_729] {strides = array<i32>} : memref<512x32xf32, #tpu.memory_space<vmem>>, vector<16xf32>,
        tpu.vector_store %arg13[%swap3A_728, %swap3A_729], %get3A_727 {add = true, strides = array<i32>} : memref<512x32xf32, #tpu.memory_space<vmem>>, vector<16xf32>,
        %scan3A_731 = arith.constant 1 : i32
        %scan3A_732 = arith.addi %scan3A_720, %scan3A_731 : i32
        %get3A_733 = arith.index_cast %scan3A_732 : i32 to index
        %get3A_734 = arith.constant 0 : index
        %get3A_735 = tpu.vector_load %arg14[%get3A_733, %get3A_734] {strides = array<i32>} : memref<512x32xf32, #tpu.memory_space<vmem>>, vector<16xf32>,
        %swap3A_736 = arith.index_cast %scan3A_732 : i32 to index
        %swap3A_737 = arith.constant 0 : index
        %swap3A_738 = tpu.vector_load %arg13[%swap3A_736, %swap3A_737] {strides = array<i32>} : memref<512x32xf32, #tpu.memory_space<vmem>>, vector<16xf32>,
        tpu.vector_store %arg13[%swap3A_736, %swap3A_737], %get3A_735 {add = true, strides = array<i32>} : memref<512x32xf32, #tpu.memory_space<vmem>>, vector<16xf32>,
        %get3A_739 = arith.index_cast %scan3A_732 : i32 to index
        %get3A_740 = arith.constant 16 : index
        %get3A_741 = tpu.vector_load %arg14[%get3A_739, %get3A_740] {strides = array<i32>} : memref<512x32xf32, #tpu.memory_space<vmem>>, vector<16xf32>,
        %swap3A_742 = arith.index_cast %scan3A_732 : i32 to index
        %swap3A_743 = arith.constant 16 : index
        %swap3A_744 = tpu.vector_load %arg13[%swap3A_742, %swap3A_743] {strides = array<i32>} : memref<512x32xf32, #tpu.memory_space<vmem>>, vector<16xf32>,
        tpu.vector_store %arg13[%swap3A_742, %swap3A_743], %get3A_741 {add = true, strides = array<i32>} : memref<512x32xf32, #tpu.memory_space<vmem>>, vector<16xf32>,
        %scan3A_745 = arith.constant 2 : i32
        %scan3A_746 = arith.addi %scan3A_720, %scan3A_745 : i32
        %get3A_747 = arith.index_cast %scan3A_746 : i32 to index
        %get3A_748 = arith.constant 0 : index
        %get3A_749 = tpu.vector_load %arg14[%get3A_747, %get3A_748] {strides = array<i32>} : memref<512x32xf32, #tpu.memory_space<vmem>>, vector<16xf32>,
        %swap3A_750 = arith.index_cast %scan3A_746 : i32 to index
        %swap3A_751 = arith.constant 0 : index
        %swap3A_752 = tpu.vector_load %arg13[%swap3A_750, %swap3A_751] {strides = array<i32>} : memref<512x32xf32, #tpu.memory_space<vmem>>, vector<16xf32>,
        tpu.vector_store %arg13[%swap3A_750, %swap3A_751], %get3A_749 {add = true, strides = array<i32>} : memref<512x32xf32, #tpu.memory_space<vmem>>, vector<16xf32>,
        %get3A_753 = arith.index_cast %scan3A_746 : i32 to index
        %get3A_754 = arith.constant 16 : index
        %get3A_755 = tpu.vector_load %arg14[%get3A_753, %get3A_754] {strides = array<i32>} : memref<512x32xf32, #tpu.memory_space<vmem>>, vector<16xf32>,
        %swap3A_756 = arith.index_cast %scan3A_746 : i32 to index
        %swap3A_757 = arith.constant 16 : index
        %swap3A_758 = tpu.vector_load %arg13[%swap3A_756, %swap3A_757] {strides = array<i32>} : memref<512x32xf32, #tpu.memory_space<vmem>>, vector<16xf32>,
        tpu.vector_store %arg13[%swap3A_756, %swap3A_757], %get3A_755 {add = true, strides = array<i32>} : memref<512x32xf32, #tpu.memory_space<vmem>>, vector<16xf32>,
        %scan3A_759 = arith.constant 3 : i32
        %scan3A_760 = arith.addi %scan3A_720, %scan3A_759 : i32
        %get3A_761 = arith.index_cast %scan3A_760 : i32 to index
        %get3A_762 = arith.constant 0 : index
        %get3A_763 = tpu.vector_load %arg14[%get3A_761, %get3A_762] {strides = array<i32>} : memref<512x32xf32, #tpu.memory_space<vmem>>, vector<16xf32>,
        %swap3A_764 = arith.index_cast %scan3A_760 : i32 to index
        %swap3A_765 = arith.constant 0 : index
        %swap3A_766 = tpu.vector_load %arg13[%swap3A_764, %swap3A_765] {strides = array<i32>} : memref<512x32xf32, #tpu.memory_space<vmem>>, vector<16xf32>,
        tpu.vector_store %arg13[%swap3A_764, %swap3A_765], %get3A_763 {add = true, strides = array<i32>} : memref<512x32xf32, #tpu.memory_space<vmem>>, vector<16xf32>,
        %get3A_767 = arith.index_cast %scan3A_760 : i32 to index
        %get3A_768 = arith.constant 16 : index
        %get3A_769 = tpu.vector_load %arg14[%get3A_767, %get3A_768] {strides = array<i32>} : memref<512x32xf32, #tpu.memory_space<vmem>>, vector<16xf32>,
        %swap3A_770 = arith.index_cast %scan3A_760 : i32 to index
        %swap3A_771 = arith.constant 16 : index
        %swap3A_772 = tpu.vector_load %arg13[%swap3A_770, %swap3A_771] {strides = array<i32>} : memref<512x32xf32, #tpu.memory_space<vmem>>, vector<16xf32>,
        tpu.vector_store %arg13[%swap3A_770, %swap3A_771], %get3A_769 {add = true, strides = array<i32>} : memref<512x32xf32, #tpu.memory_space<vmem>>, vector<16xf32>,
        %scan3A_773 = arith.constant 4 : i32
        %scan3A_774 = arith.addi %scan3A_720, %scan3A_773 : i32
        %get3A_775 = arith.index_cast %scan3A_774 : i32 to index
        %get3A_776 = arith.constant 0 : index
        %get3A_777 = tpu.vector_load %arg14[%get3A_775, %get3A_776] {strides = array<i32>} : memref<512x32xf32, #tpu.memory_space<vmem>>, vector<16xf32>,
        %swap3A_778 = arith.index_cast %scan3A_774 : i32 to index
        %swap3A_779 = arith.constant 0 : index
        %swap3A_780 = tpu.vector_load %arg13[%swap3A_778, %swap3A_779] {strides = array<i32>} : memref<512x32xf32, #tpu.memory_space<vmem>>, vector<16xf32>,
        tpu.vector_store %arg13[%swap3A_778, %swap3A_779], %get3A_777 {add = true, strides = array<i32>} : memref<512x32xf32, #tpu.memory_space<vmem>>, vector<16xf32>,
        %get3A_781 = arith.index_cast %scan3A_774 : i32 to index
        %get3A_782 = arith.constant 16 : index
        %get3A_783 = tpu.vector_load %arg14[%get3A_781, %get3A_782] {strides = array<i32>} : memref<512x32xf32, #tpu.memory_space<vmem>>, vector<16xf32>,
        %swap3A_784 = arith.index_cast %scan3A_774 : i32 to index
        %swap3A_785 = arith.constant 16 : index
        %swap3A_786 = tpu.vector_load %arg13[%swap3A_784, %swap3A_785] {strides = array<i32>} : memref<512x32xf32, #tpu.memory_space<vmem>>, vector<16xf32>,
        tpu.vector_store %arg13[%swap3A_784, %swap3A_785], %get3A_783 {add = true, strides = array<i32>} : memref<512x32xf32, #tpu.memory_space<vmem>>, vector<16xf32>,
        %scan3A_787 = arith.constant 5 : i32
        %scan3A_788 = arith.addi %scan3A_720, %scan3A_787 : i32
        %get3A_789 = arith.index_cast %scan3A_788 : i32 to index
        %get3A_790 = arith.constant 0 : index
        %get3A_791 = tpu.vector_load %arg14[%get3A_789, %get3A_790] {strides = array<i32>} : memref<512x32xf32, #tpu.memory_space<vmem>>, vector<16xf32>,
        %swap3A_792 = arith.index_cast %scan3A_788 : i32 to index
        %swap3A_793 = arith.constant 0 : index
        %swap3A_794 = tpu.vector_load %arg13[%swap3A_792, %swap3A_793] {strides = array<i32>} : memref<512x32xf32, #tpu.memory_space<vmem>>, vector<16xf32>,
        tpu.vector_store %arg13[%swap3A_792, %swap3A_793], %get3A_791 {add = true, strides = array<i32>} : memref<512x32xf32, #tpu.memory_space<vmem>>, vector<16xf32>,
        %get3A_795 = arith.index_cast %scan3A_788 : i32 to index
        %get3A_796 = arith.constant 16 : index
        %get3A_797 = tpu.vector_load %arg14[%get3A_795, %get3A_796] {strides = array<i32>} : memref<512x32xf32, #tpu.memory_space<vmem>>, vector<16xf32>,
        %swap3A_798 = arith.index_cast %scan3A_788 : i32 to index
        %swap3A_799 = arith.constant 16 : index
        %swap3A_800 = tpu.vector_load %arg13[%swap3A_798, %swap3A_799] {strides = array<i32>} : memref<512x32xf32, #tpu.memory_space<vmem>>, vector<16xf32>,
        tpu.vector_store %arg13[%swap3A_798, %swap3A_799], %get3A_797 {add = true, strides = array<i32>} : memref<512x32xf32, #tpu.memory_space<vmem>>, vector<16xf32>,
        %scan3A_801 = arith.constant 6 : i32
        %scan3A_802 = arith.addi %scan3A_720, %scan3A_801 : i32
        %get3A_803 = arith.index_cast %scan3A_802 : i32 to index
        %get3A_804 = arith.constant 0 : index
        %get3A_805 = tpu.vector_load %arg14[%get3A_803, %get3A_804] {strides = array<i32>} : memref<512x32xf32, #tpu.memory_space<vmem>>, vector<16xf32>,
        %swap3A_806 = arith.index_cast %scan3A_802 : i32 to index
        %swap3A_807 = arith.constant 0 : index
        %swap3A_808 = tpu.vector_load %arg13[%swap3A_806, %swap3A_807] {strides = array<i32>} : memref<512x32xf32, #tpu.memory_space<vmem>>, vector<16xf32>,
        tpu.vector_store %arg13[%swap3A_806, %swap3A_807], %get3A_805 {add = true, strides = array<i32>} : memref<512x32xf32, #tpu.memory_space<vmem>>, vector<16xf32>,
        %get3A_809 = arith.index_cast %scan3A_802 : i32 to index
        %get3A_810 = arith.constant 16 : index
        %get3A_811 = tpu.vector_load %arg14[%get3A_809, %get3A_810] {strides = array<i32>} : memref<512x32xf32, #tpu.memory_space<vmem>>, vector<16xf32>,
        %swap3A_812 = arith.index_cast %scan3A_802 : i32 to index
        %swap3A_813 = arith.constant 16 : index
        %swap3A_814 = tpu.vector_load %arg13[%swap3A_812, %swap3A_813] {strides = array<i32>} : memref<512x32xf32, #tpu.memory_space<vmem>>, vector<16xf32>,
        tpu.vector_store %arg13[%swap3A_812, %swap3A_813], %get3A_811 {add = true, strides = array<i32>} : memref<512x32xf32, #tpu.memory_space<vmem>>, vector<16xf32>,
        %scan3A_815 = arith.constant 7 : i32
        %scan3A_816 = arith.addi %scan3A_720, %scan3A_815 : i32
        %get3A_817 = arith.index_cast %scan3A_816 : i32 to index
        %get3A_818 = arith.constant 0 : index
        %get3A_819 = tpu.vector_load %arg14[%get3A_817, %get3A_818] {strides = array<i32>} : memref<512x32xf32, #tpu.memory_space<vmem>>, vector<16xf32>,
        %swap3A_820 = arith.index_cast %scan3A_816 : i32 to index
        %swap3A_821 = arith.constant 0 : index
        %swap3A_822 = tpu.vector_load %arg13[%swap3A_820, %swap3A_821] {strides = array<i32>} : memref<512x32xf32, #tpu.memory_space<vmem>>, vector<16xf32>,
        tpu.vector_store %arg13[%swap3A_820, %swap3A_821], %get3A_819 {add = true, strides = array<i32>} : memref<512x32xf32, #tpu.memory_space<vmem>>, vector<16xf32>,
        %get3A_823 = arith.index_cast %scan3A_816 : i32 to index
        %get3A_824 = arith.constant 16 : index
        %get3A_825 = tpu.vector_load %arg14[%get3A_823, %get3A_824] {strides = array<i32>} : memref<512x32xf32, #tpu.memory_space<vmem>>, vector<16xf32>,
        %swap3A_826 = arith.index_cast %scan3A_816 : i32 to index
        %swap3A_827 = arith.constant 16 : index
        %swap3A_828 = tpu.vector_load %arg13[%swap3A_826, %swap3A_827] {strides = array<i32>} : memref<512x32xf32, #tpu.memory_space<vmem>>, vector<16xf32>,
        tpu.vector_store %arg13[%swap3A_826, %swap3A_827], %get3A_825 {add = true, strides = array<i32>} : memref<512x32xf32, #tpu.memory_space<vmem>>, vector<16xf32>,
      }
      %scan3A_630 = arith.constant 512 : i32
      %jit3A_631 = arith.constant 8 : i32
      %div3A_632 = arith.divsi %add3A_624, %jit3A_631 : i32
      %sign3A_633 = arith.constant 0 : i32
      %sign3A_634 = arith.cmpi sgt, %add3A_624, %sign3A_633 : i32
      %sign3A_635 = arith.extui %sign3A_634 : i1 to i32
      %sign3A_636 = arith.constant 0 : i32
      %sign3A_637 = arith.cmpi slt, %add3A_624, %sign3A_636 : i32
      %sign3A_638 = arith.extui %sign3A_637 : i1 to i32
      %sign3A_639 = arith.subi %sign3A_635, %sign3A_638 : i32
      %sign3A_640 = arith.constant 0 : i32
      %sign3A_641 = arith.cmpi sgt, %jit3A_631, %sign3A_640 : i32
      %sign3A_642 = arith.extui %sign3A_641 : i1 to i32
      %sign3A_643 = arith.constant 0 : i32
      %sign3A_644 = arith.cmpi slt, %jit3A_631, %sign3A_643 : i32
      %sign3A_645 = arith.extui %sign3A_644 : i1 to i32
      %sign3A_646 = arith.subi %sign3A_642, %sign3A_645 : i32
      %ne3A_647 = arith.cmpi ne, %sign3A_639, %sign3A_646 : i32
      %rem3A_648 = arith.remsi %add3A_624, %jit3A_631 : i32
      %ne3A_649 = arith.constant 0 : i32
      %ne3A_650 = arith.cmpi ne, %rem3A_648, %ne3A_649 : i32
      %and3A_651 = arith.andi %ne3A_647, %ne3A_650 : i1
      %sub3A_652 = arith.constant 1 : i32
      %sub3A_653 = arith.subi %div3A_632, %sub3A_652 : i32
      %select_n3A_654 = arith.select %and3A_651, %sub3A_653, %div3A_632 : i32
      %mul3A_655 = arith.constant 1024 : i32
      %mul3A_656 = arith.muli %select_n3A_654, %mul3A_655 : i32
      %jit3A_657 = arith.constant 2 : i32
      %eq3A_658 = arith.constant 0 : i32
      %eq3A_659 = arith.cmpi eq, %jit3A_657, %eq3A_658 : i32
      %jit3A_660 = arith.constant 1 : i32
      %select_n3A_661 = arith.select %eq3A_659, %jit3A_660, %jit3A_657 : i32
      %rem3A_662 = arith.remsi %add3A_624, %select_n3A_661 : i32
      %ne3A_663 = arith.constant 0 : i32
      %ne3A_664 = arith.cmpi ne, %rem3A_662, %ne3A_663 : i32
      %lt3A_665 = arith.constant 0 : i32
      %lt3A_666 = arith.cmpi slt, %rem3A_662, %lt3A_665 : i32
      %lt3A_667 = arith.constant 0 : i32
      %lt3A_668 = arith.cmpi slt, %select_n3A_661, %lt3A_667 : i32
      %ne3A_669 = arith.xori %lt3A_666, %lt3A_668 : i1
      %and3A_670 = arith.andi %ne3A_669, %ne3A_664 : i1
      %add3A_671 = arith.addi %rem3A_662, %select_n3A_661 : i32
      %select_n3A_672 = arith.select %and3A_670, %add3A_671, %rem3A_662 : i32
      %mul3A_673 = arith.constant 512 : i32
      %mul3A_674 = arith.muli %select_n3A_672, %mul3A_673 : i32
      %add3A_675 = arith.addi %mul3A_656, %mul3A_674 : i32
      %jit3A_676 = arith.constant 8 : i32
      %eq3A_677 = arith.constant 0 : i32
      %eq3A_678 = arith.cmpi eq, %jit3A_676, %eq3A_677 : i32
      %jit3A_679 = arith.constant 1 : i32
      %select_n3A_680 = arith.select %eq3A_678, %jit3A_679, %jit3A_676 : i32
      %rem3A_681 = arith.remsi %add3A_624, %select_n3A_680 : i32
      %ne3A_682 = arith.constant 0 : i32
      %ne3A_683 = arith.cmpi ne, %rem3A_681, %ne3A_682 : i32
      %lt3A_684 = arith.constant 0 : i32
      %lt3A_685 = arith.cmpi slt, %rem3A_681, %lt3A_684 : i32
      %lt3A_686 = arith.constant 0 : i32
      %lt3A_687 = arith.cmpi slt, %select_n3A_680, %lt3A_686 : i32
      %ne3A_688 = arith.xori %lt3A_685, %lt3A_687 : i1
      %and3A_689 = arith.andi %ne3A_688, %ne3A_683 : i1
      %add3A_690 = arith.addi %rem3A_681, %select_n3A_680 : i32
      %select_n3A_691 = arith.select %and3A_689, %add3A_690, %rem3A_681 : i32
      %jit3A_692 = arith.constant 2 : i32
      %div3A_693 = arith.divsi %select_n3A_691, %jit3A_692 : i32
      %sign3A_694 = arith.constant 0 : i32
      %sign3A_695 = arith.cmpi sgt, %select_n3A_691, %sign3A_694 : i32
      %sign3A_696 = arith.extui %sign3A_695 : i1 to i32
      %sign3A_697 = arith.constant 0 : i32
      %sign3A_698 = arith.cmpi slt, %select_n3A_691, %sign3A_697 : i32
      %sign3A_699 = arith.extui %sign3A_698 : i1 to i32
      %sign3A_700 = arith.subi %sign3A_696, %sign3A_699 : i32
      %sign3A_701 = arith.constant 0 : i32
      %sign3A_702 = arith.cmpi sgt, %jit3A_692, %sign3A_701 : i32
      %sign3A_703 = arith.extui %sign3A_702 : i1 to i32
      %sign3A_704 = arith.constant 0 : i32
      %sign3A_705 = arith.cmpi slt, %jit3A_692, %sign3A_704 : i32
      %sign3A_706 = arith.extui %sign3A_705 : i1 to i32
      %sign3A_707 = arith.subi %sign3A_703, %sign3A_706 : i32
      %ne3A_708 = arith.cmpi ne, %sign3A_700, %sign3A_707 : i32
      %rem3A_709 = arith.remsi %select_n3A_691, %jit3A_692 : i32
      %ne3A_710 = arith.constant 0 : i32
      %ne3A_711 = arith.cmpi ne, %rem3A_709, %ne3A_710 : i32
      %and3A_712 = arith.andi %ne3A_708, %ne3A_711 : i1
      %sub3A_713 = arith.constant 1 : i32
      %sub3A_714 = arith.subi %div3A_693, %sub3A_713 : i32
      %select_n3A_715 = arith.select %and3A_712, %sub3A_714, %div3A_693 : i32
      %mul3A_716 = arith.constant 32 : i32
      %mul3A_717 = arith.muli %select_n3A_715, %mul3A_716 : i32
      %dma_start3A_718 = tpu.memref_slice %arg6[%add3A_675, %mul3A_717] : memref<819200x128xf32, #tpu.memory_space<hbm>> -> memref<512x32xf32, #tpu.memory_space<hbm>>
      %dma_start3A_719 = tpu.memref_slice %arg6[%add3A_675, %mul3A_717] : memref<819200x128xf32, #tpu.memory_space<hbm>> -> memref<512x32xf32, #tpu.memory_space<hbm>>
      tpu.enqueue_dma source(%arg13 : memref<512x32xf32, #tpu.memory_space<vmem>>) target(%dma_start3A_719 : memref<512x32xf32, #tpu.memory_space<hbm>>) target_semaphore(%arg21 : memref<!tpu.dma_semaphore, #tpu.memory_space<semaphore_mem>>)
    }
    %scan3A_90 = arith.constant 100 : i32
    %add3A_91 = arith.constant 200 : i32
    %add3A_92 = arith.addi %mul3A_2, %add3A_91 : i32
    %sub3A = arith.constant 2 : i32
    %sub3A_93 = arith.subi %add3A_92, %sub3A : i32
    %jit3A = arith.constant 8 : i32
    %div3A = arith.divsi %sub3A_93, %jit3A : i32
    %sign3A = arith.constant 0 : i32
    %sign3A_94 = arith.cmpi sgt, %sub3A_93, %sign3A : i32
    %sign3A_95 = arith.extui %sign3A_94 : i1 to i32
    %sign3A_96 = arith.constant 0 : i32
    %sign3A_97 = arith.cmpi slt, %sub3A_93, %sign3A_96 : i32
    %sign3A_98 = arith.extui %sign3A_97 : i1 to i32
    %sign3A_99 = arith.subi %sign3A_95, %sign3A_98 : i32
    %sign3A_100 = arith.constant 0 : i32
    %sign3A_101 = arith.cmpi sgt, %jit3A, %sign3A_100 : i32
    %sign3A_102 = arith.extui %sign3A_101 : i1 to i32
    %sign3A_103 = arith.constant 0 : i32
    %sign3A_104 = arith.cmpi slt, %jit3A, %sign3A_103 : i32
    %sign3A_105 = arith.extui %sign3A_104 : i1 to i32
    %sign3A_106 = arith.subi %sign3A_102, %sign3A_105 : i32
    %ne3A = arith.cmpi ne, %sign3A_99, %sign3A_106 : i32
    %rem3A = arith.remsi %sub3A_93, %jit3A : i32
    %ne3A_107 = arith.constant 0 : i32
    %ne3A_108 = arith.cmpi ne, %rem3A, %ne3A_107 : i32
    %and3A = arith.andi %ne3A, %ne3A_108 : i1
    %sub3A_109 = arith.constant 1 : i32
    %sub3A_110 = arith.subi %div3A, %sub3A_109 : i32
    %select_n3A = arith.select %and3A, %sub3A_110, %div3A : i32
    %mul3A_111 = arith.constant 1024 : i32
    %mul3A_112 = arith.muli %select_n3A, %mul3A_111 : i32
    %jit3A_113 = arith.constant 2 : i32
    %eq3A_114 = arith.constant 0 : i32
    %eq3A_115 = arith.cmpi eq, %jit3A_113, %eq3A_114 : i32
    %jit3A_116 = arith.constant 1 : i32
    %select_n3A_117 = arith.select %eq3A_115, %jit3A_116, %jit3A_113 : i32
    %rem3A_118 = arith.remsi %sub3A_93, %select_n3A_117 : i32
    %ne3A_119 = arith.constant 0 : i32
    %ne3A_120 = arith.cmpi ne, %rem3A_118, %ne3A_119 : i32
    %lt3A = arith.constant 0 : i32
    %lt3A_121 = arith.cmpi slt, %rem3A_118, %lt3A : i32
    %lt3A_122 = arith.constant 0 : i32
    %lt3A_123 = arith.cmpi slt, %select_n3A_117, %lt3A_122 : i32
    %ne3A_124 = arith.xori %lt3A_121, %lt3A_123 : i1
    %and3A_125 = arith.andi %ne3A_124, %ne3A_120 : i1
    %add3A_126 = arith.addi %rem3A_118, %select_n3A_117 : i32
    %select_n3A_127 = arith.select %and3A_125, %add3A_126, %rem3A_118 : i32
    %mul3A_128 = arith.constant 512 : i32
    %mul3A_129 = arith.muli %select_n3A_127, %mul3A_128 : i32
    %add3A_130 = arith.addi %mul3A_112, %mul3A_129 : i32
    %jit3A_131 = arith.constant 8 : i32
    %eq3A_132 = arith.constant 0 : i32
    %eq3A_133 = arith.cmpi eq, %jit3A_131, %eq3A_132 : i32
    %jit3A_134 = arith.constant 1 : i32
    %select_n3A_135 = arith.select %eq3A_133, %jit3A_134, %jit3A_131 : i32
    %rem3A_136 = arith.remsi %sub3A_93, %select_n3A_135 : i32
    %ne3A_137 = arith.constant 0 : i32
    %ne3A_138 = arith.cmpi ne, %rem3A_136, %ne3A_137 : i32
    %lt3A_139 = arith.constant 0 : i32
    %lt3A_140 = arith.cmpi slt, %rem3A_136, %lt3A_139 : i32
    %lt3A_141 = arith.constant 0 : i32
    %lt3A_142 = arith.cmpi slt, %select_n3A_135, %lt3A_141 : i32
    %ne3A_143 = arith.xori %lt3A_140, %lt3A_142 : i1
    %and3A_144 = arith.andi %ne3A_143, %ne3A_138 : i1
    %add3A_145 = arith.addi %rem3A_136, %select_n3A_135 : i32
    %select_n3A_146 = arith.select %and3A_144, %add3A_145, %rem3A_136 : i32
    %jit3A_147 = arith.constant 2 : i32
    %div3A_148 = arith.divsi %select_n3A_146, %jit3A_147 : i32
    %sign3A_149 = arith.constant 0 : i32
    %sign3A_150 = arith.cmpi sgt, %select_n3A_146, %sign3A_149 : i32
    %sign3A_151 = arith.extui %sign3A_150 : i1 to i32
    %sign3A_152 = arith.constant 0 : i32
    %sign3A_153 = arith.cmpi slt, %select_n3A_146, %sign3A_152 : i32
    %sign3A_154 = arith.extui %sign3A_153 : i1 to i32
    %sign3A_155 = arith.subi %sign3A_151, %sign3A_154 : i32
    %sign3A_156 = arith.constant 0 : i32
    %sign3A_157 = arith.cmpi sgt, %jit3A_147, %sign3A_156 : i32
    %sign3A_158 = arith.extui %sign3A_157 : i1 to i32
    %sign3A_159 = arith.constant 0 : i32
    %sign3A_160 = arith.cmpi slt, %jit3A_147, %sign3A_159 : i32
    %sign3A_161 = arith.extui %sign3A_160 : i1 to i32
    %sign3A_162 = arith.subi %sign3A_158, %sign3A_161 : i32
    %ne3A_163 = arith.cmpi ne, %sign3A_155, %sign3A_162 : i32
    %rem3A_164 = arith.remsi %select_n3A_146, %jit3A_147 : i32
    %ne3A_165 = arith.constant 0 : i32
    %ne3A_166 = arith.cmpi ne, %rem3A_164, %ne3A_165 : i32
    %and3A_167 = arith.andi %ne3A_163, %ne3A_166 : i1
    %sub3A_168 = arith.constant 1 : i32
    %sub3A_169 = arith.subi %div3A_148, %sub3A_168 : i32
    %select_n3A_170 = arith.select %and3A_167, %sub3A_169, %div3A_148 : i32
    %mul3A_171 = arith.constant 32 : i32
    %mul3A_172 = arith.muli %select_n3A_170, %mul3A_171 : i32
    %dma_wait3A = tpu.memref_slice %arg6[%add3A_130, %mul3A_172] : memref<819200x128xf32, #tpu.memory_space<hbm>> -> memref<512x32xf32, #tpu.memory_space<hbm>>
    %dma_wait3A_173 = tpu.memref_slice %arg6[%add3A_130, %mul3A_172] : memref<819200x128xf32, #tpu.memory_space<hbm>> -> memref<512x32xf32, #tpu.memory_space<hbm>>
    tpu.wait_dma2 semaphore(%arg20 : memref<!tpu.dma_semaphore, #tpu.memory_space<semaphore_mem>>) src(%arg9 : memref<512x32xf32, #tpu.memory_space<vmem>>) dst(%dma_wait3A_173 : memref<512x32xf32, #tpu.memory_space<hbm>>)
    %add3A_174 = arith.constant 200 : i32
    %add3A_175 = arith.addi %mul3A_2, %add3A_174 : i32
    %sub3A_176 = arith.constant 1 : i32
    %sub3A_177 = arith.subi %add3A_175, %sub3A_176 : i32
    %jit3A_178 = arith.constant 8 : i32
    %div3A_179 = arith.divsi %sub3A_177, %jit3A_178 : i32
    %sign3A_180 = arith.constant 0 : i32
    %sign3A_181 = arith.cmpi sgt, %sub3A_177, %sign3A_180 : i32
    %sign3A_182 = arith.extui %sign3A_181 : i1 to i32
    %sign3A_183 = arith.constant 0 : i32
    %sign3A_184 = arith.cmpi slt, %sub3A_177, %sign3A_183 : i32
    %sign3A_185 = arith.extui %sign3A_184 : i1 to i32
    %sign3A_186 = arith.subi %sign3A_182, %sign3A_185 : i32
    %sign3A_187 = arith.constant 0 : i32
    %sign3A_188 = arith.cmpi sgt, %jit3A_178, %sign3A_187 : i32
    %sign3A_189 = arith.extui %sign3A_188 : i1 to i32
    %sign3A_190 = arith.constant 0 : i32
    %sign3A_191 = arith.cmpi slt, %jit3A_178, %sign3A_190 : i32
    %sign3A_192 = arith.extui %sign3A_191 : i1 to i32
    %sign3A_193 = arith.subi %sign3A_189, %sign3A_192 : i32
    %ne3A_194 = arith.cmpi ne, %sign3A_186, %sign3A_193 : i32
    %rem3A_195 = arith.remsi %sub3A_177, %jit3A_178 : i32
    %ne3A_196 = arith.constant 0 : i32
    %ne3A_197 = arith.cmpi ne, %rem3A_195, %ne3A_196 : i32
    %and3A_198 = arith.andi %ne3A_194, %ne3A_197 : i1
    %sub3A_199 = arith.constant 1 : i32
    %sub3A_200 = arith.subi %div3A_179, %sub3A_199 : i32
    %select_n3A_201 = arith.select %and3A_198, %sub3A_200, %div3A_179 : i32
    %mul3A_202 = arith.constant 1024 : i32
    %mul3A_203 = arith.muli %select_n3A_201, %mul3A_202 : i32
    %jit3A_204 = arith.constant 2 : i32
    %eq3A_205 = arith.constant 0 : i32
    %eq3A_206 = arith.cmpi eq, %jit3A_204, %eq3A_205 : i32
    %jit3A_207 = arith.constant 1 : i32
    %select_n3A_208 = arith.select %eq3A_206, %jit3A_207, %jit3A_204 : i32
    %rem3A_209 = arith.remsi %sub3A_177, %select_n3A_208 : i32
    %ne3A_210 = arith.constant 0 : i32
    %ne3A_211 = arith.cmpi ne, %rem3A_209, %ne3A_210 : i32
    %lt3A_212 = arith.constant 0 : i32
    %lt3A_213 = arith.cmpi slt, %rem3A_209, %lt3A_212 : i32
    %lt3A_214 = arith.constant 0 : i32
    %lt3A_215 = arith.cmpi slt, %select_n3A_208, %lt3A_214 : i32
    %ne3A_216 = arith.xori %lt3A_213, %lt3A_215 : i1
    %and3A_217 = arith.andi %ne3A_216, %ne3A_211 : i1
    %add3A_218 = arith.addi %rem3A_209, %select_n3A_208 : i32
    %select_n3A_219 = arith.select %and3A_217, %add3A_218, %rem3A_209 : i32
    %mul3A_220 = arith.constant 512 : i32
    %mul3A_221 = arith.muli %select_n3A_219, %mul3A_220 : i32
    %add3A_222 = arith.addi %mul3A_203, %mul3A_221 : i32
    %jit3A_223 = arith.constant 8 : i32
    %eq3A_224 = arith.constant 0 : i32
    %eq3A_225 = arith.cmpi eq, %jit3A_223, %eq3A_224 : i32
    %jit3A_226 = arith.constant 1 : i32
    %select_n3A_227 = arith.select %eq3A_225, %jit3A_226, %jit3A_223 : i32
    %rem3A_228 = arith.remsi %sub3A_177, %select_n3A_227 : i32
    %ne3A_229 = arith.constant 0 : i32
    %ne3A_230 = arith.cmpi ne, %rem3A_228, %ne3A_229 : i32
    %lt3A_231 = arith.constant 0 : i32
    %lt3A_232 = arith.cmpi slt, %rem3A_228, %lt3A_231 : i32
    %lt3A_233 = arith.constant 0 : i32
    %lt3A_234 = arith.cmpi slt, %select_n3A_227, %lt3A_233 : i32
    %ne3A_235 = arith.xori %lt3A_232, %lt3A_234 : i1
    %and3A_236 = arith.andi %ne3A_235, %ne3A_230 : i1
    %add3A_237 = arith.addi %rem3A_228, %select_n3A_227 : i32
    %select_n3A_238 = arith.select %and3A_236, %add3A_237, %rem3A_228 : i32
    %jit3A_239 = arith.constant 2 : i32
    %div3A_240 = arith.divsi %select_n3A_238, %jit3A_239 : i32
    %sign3A_241 = arith.constant 0 : i32
    %sign3A_242 = arith.cmpi sgt, %select_n3A_238, %sign3A_241 : i32
    %sign3A_243 = arith.extui %sign3A_242 : i1 to i32
    %sign3A_244 = arith.constant 0 : i32
    %sign3A_245 = arith.cmpi slt, %select_n3A_238, %sign3A_244 : i32
    %sign3A_246 = arith.extui %sign3A_245 : i1 to i32
    %sign3A_247 = arith.subi %sign3A_243, %sign3A_246 : i32
    %sign3A_248 = arith.constant 0 : i32
    %sign3A_249 = arith.cmpi sgt, %jit3A_239, %sign3A_248 : i32
    %sign3A_250 = arith.extui %sign3A_249 : i1 to i32
    %sign3A_251 = arith.constant 0 : i32
    %sign3A_252 = arith.cmpi slt, %jit3A_239, %sign3A_251 : i32
    %sign3A_253 = arith.extui %sign3A_252 : i1 to i32
    %sign3A_254 = arith.subi %sign3A_250, %sign3A_253 : i32
    %ne3A_255 = arith.cmpi ne, %sign3A_247, %sign3A_254 : i32
    %rem3A_256 = arith.remsi %select_n3A_238, %jit3A_239 : i32
    %ne3A_257 = arith.constant 0 : i32
    %ne3A_258 = arith.cmpi ne, %rem3A_256, %ne3A_257 : i32
    %and3A_259 = arith.andi %ne3A_255, %ne3A_258 : i1
    %sub3A_260 = arith.constant 1 : i32
    %sub3A_261 = arith.subi %div3A_240, %sub3A_260 : i32
    %select_n3A_262 = arith.select %and3A_259, %sub3A_261, %div3A_240 : i32
    %mul3A_263 = arith.constant 32 : i32
    %mul3A_264 = arith.muli %select_n3A_262, %mul3A_263 : i32
    %dma_wait3A_265 = tpu.memref_slice %arg6[%add3A_222, %mul3A_264] : memref<819200x128xf32, #tpu.memory_space<hbm>> -> memref<512x32xf32, #tpu.memory_space<hbm>>
    %dma_wait3A_266 = tpu.memref_slice %arg6[%add3A_222, %mul3A_264] : memref<819200x128xf32, #tpu.memory_space<hbm>> -> memref<512x32xf32, #tpu.memory_space<hbm>>
    tpu.wait_dma2 semaphore(%arg21 : memref<!tpu.dma_semaphore, #tpu.memory_space<semaphore_mem>>) src(%arg13 : memref<512x32xf32, #tpu.memory_space<vmem>>) dst(%dma_wait3A_266 : memref<512x32xf32, #tpu.memory_space<hbm>>)
    return
  }
}

module attributes {stable_mosaic.version = 14 : i64} {
  func.func @_proj_t_bias_kernel(%arg0: memref<32x32xf32, #tpu.memory_space<vmem>>, %arg1: memref<32x1000xf32, #tpu.memory_space<vmem>>, %arg2: memref<32x1xf32, #tpu.memory_space<vmem>>, %arg3: memref<32x1000xf32, #tpu.memory_space<vmem>>) attributes {dimension_semantics = [], scalar_prefetch = 0 : i64, scratch_operands = 0 : i64, tpu.core_type = #tpu.core_type<tc>} {
    %get3A = arith.constant 0 : index
    %get3A_0 = arith.constant 0 : index
    %get3A_1 = vector.load %arg0[%get3A, %get3A_0] : memref<32x32xf32, #tpu.memory_space<vmem>>, vector<32x32xf32>
    %get3A_2 = arith.constant 0 : index
    %get3A_3 = arith.constant 0 : index
    %get3A_4 = vector.load %arg1[%get3A_2, %get3A_3] : memref<32x1000xf32, #tpu.memory_space<vmem>>, vector<32x1000xf32>
    %dot_general3A = arith.constant dense<0.000000e+00> : vector<32x1000xf32>
    %dot_general3A_5 = tpu.matmul %get3A_1, %get3A_4, %dot_general3A {dimension_numbers = #tpu.dot_dimension_numbers<[1], [0], [0], [1], [0, 0, 1, 1], [], []>, transpose_lhs_hint = false} : vector<32x32xf32>, vector<32x1000xf32>, vector<32x1000xf32> -> vector<32x1000xf32>
    %get3A_6 = arith.constant 0 : index
    %get3A_7 = arith.constant 0 : index
    %get3A_8 = vector.load %arg2[%get3A_6, %get3A_7] : memref<32x1xf32, #tpu.memory_space<vmem>>, vector<32x1xf32>
    %add3A = vector.broadcast %get3A_8 : vector<32x1xf32> to vector<32x1000xf32>
    %add3A_9 = arith.addf %dot_general3A_5, %add3A : vector<32x1000xf32>
    %swap3A = arith.constant 0 : index
    %swap3A_10 = arith.constant 0 : index
    %swap3A_11 = vector.load %arg3[%swap3A, %swap3A_10] : memref<32x1000xf32, #tpu.memory_space<vmem>>, vector<32x1000xf32>
    tpu.vector_store %arg3[%swap3A, %swap3A_10], %add3A_9 {strides = array<i32>} : memref<32x1000xf32, #tpu.memory_space<vmem>>, vector<32x1000xf32>,
    return
  }
}

module attributes {stable_mosaic.version = 14 : i64} {
  func.func @_proj_pack_kernel(%arg0: i32, %arg1: memref<32x32xf32, #tpu.memory_space<vmem>>, %arg2: memref<32x16384xf32, #tpu.memory_space<vmem>>, %arg3: memref<4096x128xf32, #tpu.memory_space<vmem>>) attributes {dimension_semantics = [#tpu.dimension_semantics<arbitrary>], iteration_bounds = array<i64: 62>, scalar_prefetch = 0 : i64, scratch_operands = 0 : i64, tpu.core_type = #tpu.core_type<tc>, window_params = [{pipeline_mode = #tpu.pipeline_mode<synchronous>, transform_indices = @transform_0, window_bounds = array<i64: 32, 32>}, {transform_indices = @transform_1, window_bounds = array<i64: 32, 16384>}, {transform_indices = @transform_2, window_bounds = array<i64: 4096, 128>}]} {
    %get3A = arith.constant 0 : index
    %get3A_0 = arith.constant 0 : index
    %get3A_1 = vector.load %arg2[%get3A, %get3A_0] : memref<32x16384xf32, #tpu.memory_space<vmem>>, vector<32x16384xf32>
    %get3A_2 = arith.constant 0 : index
    %get3A_3 = arith.constant 0 : index
    %get3A_4 = vector.load %arg1[%get3A_2, %get3A_3] : memref<32x32xf32, #tpu.memory_space<vmem>>, vector<32x32xf32>
    %dot_general3A = arith.constant dense<0.000000e+00> : vector<16384x32xf32>
    %dot_general3A_5 = tpu.matmul %get3A_1, %get3A_4, %dot_general3A {dimension_numbers = #tpu.dot_dimension_numbers<[0], [1], [1], [0], [0, 1, 1, 0], [], []>, transpose_lhs_hint = false} : vector<32x16384xf32>, vector<32x32xf32>, vector<16384x32xf32> -> vector<16384x32xf32>
    %slice3A = vector.extract_strided_slice %dot_general3A_5 {offsets = [0, 0], sizes = [4096, 32], strides = [1, 1]} : vector<16384x32xf32> to vector<4096x32xf32>
    %swap3A = arith.constant 0 : index
    %swap3A_6 = arith.constant 0 : index
    %swap3A_7 = vector.load %arg3[%swap3A, %swap3A_6] : memref<4096x128xf32, #tpu.memory_space<vmem>>, vector<4096x32xf32>
    tpu.vector_store %arg3[%swap3A, %swap3A_6], %slice3A {strides = array<i32>} : memref<4096x128xf32, #tpu.memory_space<vmem>>, vector<4096x32xf32>,
    %slice3A_8 = vector.extract_strided_slice %dot_general3A_5 {offsets = [4096, 0], sizes = [4096, 32], strides = [1, 1]} : vector<16384x32xf32> to vector<4096x32xf32>
    %swap3A_9 = arith.constant 0 : index
    %swap3A_10 = arith.constant 32 : index
    %swap3A_11 = vector.load %arg3[%swap3A_9, %swap3A_10] : memref<4096x128xf32, #tpu.memory_space<vmem>>, vector<4096x32xf32>
    tpu.vector_store %arg3[%swap3A_9, %swap3A_10], %slice3A_8 {strides = array<i32>} : memref<4096x128xf32, #tpu.memory_space<vmem>>, vector<4096x32xf32>,
    %slice3A_12 = vector.extract_strided_slice %dot_general3A_5 {offsets = [8192, 0], sizes = [4096, 32], strides = [1, 1]} : vector<16384x32xf32> to vector<4096x32xf32>
    %swap3A_13 = arith.constant 0 : index
    %swap3A_14 = arith.constant 64 : index
    %swap3A_15 = vector.load %arg3[%swap3A_13, %swap3A_14] : memref<4096x128xf32, #tpu.memory_space<vmem>>, vector<4096x32xf32>
    tpu.vector_store %arg3[%swap3A_13, %swap3A_14], %slice3A_12 {strides = array<i32>} : memref<4096x128xf32, #tpu.memory_space<vmem>>, vector<4096x32xf32>,
    %slice3A_16 = vector.extract_strided_slice %dot_general3A_5 {offsets = [12288, 0], sizes = [4096, 32], strides = [1, 1]} : vector<16384x32xf32> to vector<4096x32xf32>
    %swap3A_17 = arith.constant 0 : index
    %swap3A_18 = arith.constant 96 : index
    %swap3A_19 = vector.load %arg3[%swap3A_17, %swap3A_18] : memref<4096x128xf32, #tpu.memory_space<vmem>>, vector<4096x32xf32>
    tpu.vector_store %arg3[%swap3A_17, %swap3A_18], %slice3A_16 {strides = array<i32>} : memref<4096x128xf32, #tpu.memory_space<vmem>>, vector<4096x32xf32>,
    return
  }
  func.func @transform_0(%arg0: i32) -> (i32, i32) {
    %c0_i32 = arith.constant 0 : i32
    %c0_i32_0 = arith.constant 0 : i32
    %c0_i32_1 = arith.constant 0 : i32
    return %c0_i32, %c0_i32_0 : i32, i32
  }
  func.func @transform_1(%arg0: i32) -> (i32, i32) {
    %c0_i32 = arith.constant 0 : i32
    %c0_i32_0 = arith.constant 0 : i32
    return %c0_i32, %arg0 : i32, i32
  }
  func.func @transform_2(%arg0: i32) -> (i32, i32) {
    %c0_i32 = arith.constant 0 : i32
    %c0_i32_0 = arith.constant 0 : i32
    return %arg0, %c0_i32 : i32, i32
  }
}

module attributes {stable_mosaic.version = 14 : i64} {
  func.func @_unpack_t_kernel(%arg0: i32, %arg1: i32, %arg2: memref<1024x128xf32, #tpu.memory_space<vmem>>, %arg3: memref<1x32x4096xf32, #tpu.memory_space<vmem>>) attributes {dimension_semantics = [#tpu.dimension_semantics<arbitrary>, #tpu.dimension_semantics<arbitrary>], iteration_bounds = array<i64: 200, 4>, scalar_prefetch = 0 : i64, scratch_operands = 0 : i64, tpu.core_type = #tpu.core_type<tc>, window_params = [{transform_indices = @transform_0, window_bounds = array<i64: 1024, 128>}, {transform_indices = @transform_1, window_bounds = array<i64: 1, 32, 4096>}]} {
    %get3A = arith.constant 0 : index
    %get3A_0 = arith.constant 0 : index
    %get3A_1 = vector.load %arg2[%get3A, %get3A_0] : memref<1024x128xf32, #tpu.memory_space<vmem>>, vector<1024x128xf32>
    %transpose3A = tpu.transpose %get3A_1, [1, 0] : vector<1024x128xf32> -> vector<128x1024xf32>
    %slice3A = vector.extract_strided_slice %transpose3A {offsets = [0, 0], sizes = [32, 1024], strides = [1, 1]} : vector<128x1024xf32> to vector<32x1024xf32>
    %swap3A = arith.constant 0 : index
    %swap3A_2 = arith.constant 0 : index
    %swap3A_3 = arith.constant 0 : index
    %swap3A_4 = vector.load %arg3[%swap3A, %swap3A_2, %swap3A_3] : memref<1x32x4096xf32, #tpu.memory_space<vmem>>, vector<1x32x1024xf32>
    %swap3A_5 = vector.shape_cast %swap3A_4 : vector<1x32x1024xf32> to vector<32x1024xf32>
    %swap3A_6 = vector.shape_cast %slice3A : vector<32x1024xf32> to vector<1x32x1024xf32>
    tpu.vector_store %arg3[%swap3A, %swap3A_2, %swap3A_3], %swap3A_6 {strides = array<i32>} : memref<1x32x4096xf32, #tpu.memory_space<vmem>>, vector<1x32x1024xf32>,
    %slice3A_7 = vector.extract_strided_slice %transpose3A {offsets = [32, 0], sizes = [32, 1024], strides = [1, 1]} : vector<128x1024xf32> to vector<32x1024xf32>
    %swap3A_8 = arith.constant 0 : index
    %swap3A_9 = arith.constant 0 : index
    %swap3A_10 = arith.constant 1024 : index
    %swap3A_11 = vector.load %arg3[%swap3A_8, %swap3A_9, %swap3A_10] : memref<1x32x4096xf32, #tpu.memory_space<vmem>>, vector<1x32x1024xf32>
    %swap3A_12 = vector.shape_cast %swap3A_11 : vector<1x32x1024xf32> to vector<32x1024xf32>
    %swap3A_13 = vector.shape_cast %slice3A_7 : vector<32x1024xf32> to vector<1x32x1024xf32>
    tpu.vector_store %arg3[%swap3A_8, %swap3A_9, %swap3A_10], %swap3A_13 {strides = array<i32>} : memref<1x32x4096xf32, #tpu.memory_space<vmem>>, vector<1x32x1024xf32>,
    %slice3A_14 = vector.extract_strided_slice %transpose3A {offsets = [64, 0], sizes = [32, 1024], strides = [1, 1]} : vector<128x1024xf32> to vector<32x1024xf32>
    %swap3A_15 = arith.constant 0 : index
    %swap3A_16 = arith.constant 0 : index
    %swap3A_17 = arith.constant 2048 : index
    %swap3A_18 = vector.load %arg3[%swap3A_15, %swap3A_16, %swap3A_17] : memref<1x32x4096xf32, #tpu.memory_space<vmem>>, vector<1x32x1024xf32>
    %swap3A_19 = vector.shape_cast %swap3A_18 : vector<1x32x1024xf32> to vector<32x1024xf32>
    %swap3A_20 = vector.shape_cast %slice3A_14 : vector<32x1024xf32> to vector<1x32x1024xf32>
    tpu.vector_store %arg3[%swap3A_15, %swap3A_16, %swap3A_17], %swap3A_20 {strides = array<i32>} : memref<1x32x4096xf32, #tpu.memory_space<vmem>>, vector<1x32x1024xf32>,
    %slice3A_21 = vector.extract_strided_slice %transpose3A {offsets = [96, 0], sizes = [32, 1024], strides = [1, 1]} : vector<128x1024xf32> to vector<32x1024xf32>
    %swap3A_22 = arith.constant 0 : index
    %swap3A_23 = arith.constant 0 : index
    %swap3A_24 = arith.constant 3072 : index
    %swap3A_25 = vector.load %arg3[%swap3A_22, %swap3A_23, %swap3A_24] : memref<1x32x4096xf32, #tpu.memory_space<vmem>>, vector<1x32x1024xf32>
    %swap3A_26 = vector.shape_cast %swap3A_25 : vector<1x32x1024xf32> to vector<32x1024xf32>
    %swap3A_27 = vector.shape_cast %slice3A_21 : vector<32x1024xf32> to vector<1x32x1024xf32>
    tpu.vector_store %arg3[%swap3A_22, %swap3A_23, %swap3A_24], %swap3A_27 {strides = array<i32>} : memref<1x32x4096xf32, #tpu.memory_space<vmem>>, vector<1x32x1024xf32>,
    return
  }
  func.func @transform_0(%arg0: i32, %arg1: i32) -> (i32, i32) {
    %mul3A = arith.constant 4 : i32
    %mul3A_0 = arith.muli %arg0, %mul3A : i32
    %add3A = arith.addi %mul3A_0, %arg1 : i32
    %c0_i32 = arith.constant 0 : i32
    %c0_i32_1 = arith.constant 0 : i32
    return %add3A, %c0_i32 : i32, i32
  }
  func.func @transform_1(%arg0: i32, %arg1: i32) -> (i32, i32, i32) {
    %c0_i32 = arith.constant 0 : i32
    %c0_i32_0 = arith.constant 0 : i32
    return %arg0, %c0_i32, %arg1 : i32, i32, i32
  }
}

</mosaic_0001>

<sc_bundles>
// kernel: kernel.6.cloned.1.call-start
scs
__scs_entry_jumppad:
0x0: {  	(pc) =	sbr.rel $0x88, $3  }
0x1: {  	(tag) =	ssettag $0x0;
	lr =	simm.s32 $0x1  }
0x2: {  	[smem:$0x3F9B] =	sst lr;
	_ =	strace $0xD0000000  }
0x3: {  	_ = 	snop  }
0x4: {  	_ = 	snop  }
0x5: {  	_ = 	snop  }
0x6: {  	_ = 	snop  }
0x7: {  	_ = 	snop  }
__scs_overlays_trampoline_lowered:
0x8: {  	[smem:$0x3FAA] =	sst s0  }
0x9: {  	[smem:$0x3FAB] =	sst s1  }
0xa: {  	[smem:$0x3FAC] =	sst s2  }
0xb: {  	[smem:$0x3FAD] =	sst s3  }
0xc: {  	[smem:$0x3FAE] =	sst s4  }
0xd: {  	[smem:$0x3FAF] =	sst s5  }
0xe: {  	[smem:$0x3FB0] =	sst s6  }
0xf: {  	[smem:$0x3FB1] =	sst s7  }
0x10: {  	[smem:$0x3FB2] =	sst s8  }
0x11: {  	[smem:$0x3FB3] =	sst s9;
	s0 =	simm.s32 @!p0 $0x0  }
0x12: {  	s1 =	sld [smem:$0x3F99];
	s0 =	simm.s32 @p0 $0x1  }
0x13: {  	[smem:$0x3FB4] =	sst s0;
	s0 =	simm.s32 @!p1 $0x0  }
0x14: {  	s2 =	sld [smem:$0x3F98];
	s0 =	simm.s32 @p1 $0x1  }
0x15: {  	[smem:$0x3FB5] =	sst s0;
	s0 =	simm.s32 @!p2 $0x0  }
0x16: {  	s3 =	sld [smem:$0x3FDB];
	s0 =	simm.s32 @p2 $0x1  }
0x17: {  	s4 =	simm.s32 $0x1BF5;
	[smem:$0x3FB7] =	sst s0  }
0x18: {  	s0 =	sld [smem:$0x3F9A];
	_ =	swait.ge [sflag:s4], $0x0  }
0x19: {  	s7 =	sld [smem:$0x3F9B]  }
0x1a: {  	s8 =	sadd.s32 $0xFFFFE003, lr  }
0x1b: {  	s9 =	sadd.s32 $0xFFFFFEF7, lr;
	s5 =	simm.s32 $0xFFFFFFFF;
	p2 =	slt.u32 s8, $0xFFFFF086  }
0x1c: {  	p1 =	slt.u32 s9, $0xF7A;
	s5 =	simm.s32 @!p2 $0x0  }
0x1d: {  	s5 =	simm.s32 @p1 $0x1;
	p0 =	seq.s32 s7, s2  }
0x1e: {  	s7 =	smul.u32 @!p0 $0xF7A, s2;
	p2 =	seq.s32 @!p0 s5, $0x0  }
0x1f: {  	s9 =	smul.u32 $0xF7A, s1;
	s8 =	simm.s32 @!p0 $0x1BF5;
	p2 =	por !p2, p0  }
0x20: {  	[sflag:s8] =	ssyncset.s32 @!p0 $0xFFFFF086;
	s6 =	sadd.s32 @!p0 s3, s7;
	s7 =	simm.s32 @!p0 $0x108  }
0x21: {  	s3 =	sadd.s32 s3, s9;
	s6 =	sadd.s32 @!p0 $0x88, s6;
	s7 =	simm.s32 @p2 $0x1082  }
0x22: {  	[simem:s7], [sflag:s8] =	dma.local @!p0 [hbm:s6], $0xF7A  }
0x23: {  	s9 =	sor.u32 $0xD0000000, s2;
	s6 =	simm.s32 $0x108;
	_ =	swait.ge @!p0 [sflag:s8], $0x0  }
0x24: {  	s3 =	sadd.s32 $0x88, s3;
	s6 =	simm.s32 @!p1 $0x1082;
	[sflag:s4] =	ssyncset.s32 $0xFFFFF086  }
0x25: {  	[simem:s6], [sflag:s4] =	dma.local [hbm:s3], $0xF7A  }
0x26: {  	[smem:$0x3F9B] =	sst s1;
	(tag) =	ssettag s2;
	_ =	strace s9  }
0x27: {  	s1 =	sld [smem:$0x3FAB]  }
0x28: {  	s2 =	sld [smem:$0x3FAC]  }
0x29: {  	s4 =	sld [smem:$0x3FAE]  }
0x2a: {  	p0 =	seq.s32 s5, $0x0;
	s5 =	sld [smem:$0x3FAF]  }
0x2b: {  	s6 =	sld [smem:$0x3FB0]  }
0x2c: {  	s7 =	sld [smem:$0x3FB1]  }
0x2d: {  	s3 =	simm.s32 $0x108;
	s8 =	sld [smem:$0x3FB2]  }
0x2e: {  	s3 =	simm.s32 @!p0 $0x1082;
	s9 =	sld [smem:$0x3FB3]  }
0x2f: {  	lr =	sadd.s32 s0, s3;
	s0 =	sld [smem:$0x3FAA]  }
0x30: {  	s3 =	sld [smem:$0x3FAD]  }
0x31: {  	[smem:$0x3FB6] =	sst s10  }
0x32: {  	s10 =	sld [smem:$0x3FB4];
	_ =	sdelay $0x3  }
0x33: {  	p0 =	seq.s32 s10, $0x1;
	s10 =	sld [smem:$0x3FB6];
	_ =	sdelay $0x3  }
0x34: {  	[smem:$0x3FB6] =	sst s10  }
0x35: {  	s10 =	sld [smem:$0x3FB5];
	_ =	sdelay $0x3  }
0x36: {  	p1 =	seq.s32 s10, $0x1;
	s10 =	sld [smem:$0x3FB6];
	_ =	sdelay $0x3  }
0x37: {  	[smem:$0x3FB6] =	sst s10  }
0x38: {  	s10 =	sld [smem:$0x3FB7]  }
0x39: {  	_ = 	snop;
	(pc) =	sbr.ind lr, $3  }
0x3a: {  	_ = 	snop  }
0x3b: {  	_ = 	snop  }
0x3c: {  	p2 =	seq.s32 s10, $0x1;
	s10 =	sld [smem:$0x3FB6]  }
0x3d: {  	_ =	shalt  }
0x3e: {  	_ =	shalt  }
0x3f: {  	_ =	shalt  }
0x40: {  	_ =	shalt  }
0x41: {  	_ =	shalt  }
0x42: {  	_ =	shalt  }
0x43: {  	_ =	shalt  }
0x44: {  	_ =	shalt  }
0x45: {  	_ =	shalt  }
0x46: {  	_ =	shalt  }
0x47: {  	_ =	shalt  }
0x48: {  	_ =	shalt  }
0x49: {  	_ =	shalt  }
0x4a: {  	_ =	shalt  }
0x4b: {  	_ =	shalt  }
0x4c: {  	_ =	shalt  }
0x4d: {  	_ =	shalt  }
0x4e: {  	_ =	shalt  }
0x4f: {  	_ =	shalt  }
0x50: {  	_ =	shalt  }
0x51: {  	_ =	shalt  }
0x52: {  	_ =	shalt  }
0x53: {  	_ =	shalt  }
0x54: {  	_ =	shalt  }
0x55: {  	_ =	shalt  }
0x56: {  	_ =	shalt  }
0x57: {  	_ =	shalt  }
0x58: {  	_ =	shalt  }
0x59: {  	_ =	shalt  }
0x5a: {  	_ =	shalt  }
0x5b: {  	_ =	shalt  }
0x5c: {  	_ =	shalt  }
0x5d: {  	_ =	shalt  }
0x5e: {  	_ =	shalt  }
0x5f: {  	_ =	shalt  }
0x60: {  	_ =	shalt  }
0x61: {  	_ =	shalt  }
0x62: {  	_ =	shalt  }
0x63: {  	_ =	shalt  }
0x64: {  	_ =	shalt  }
0x65: {  	_ =	shalt  }
0x66: {  	_ =	shalt  }
0x67: {  	_ =	shalt  }
0x68: {  	_ =	shalt  }
0x69: {  	_ =	shalt  }
0x6a: {  	_ =	shalt  }
0x6b: {  	_ =	shalt  }
0x6c: {  	_ =	shalt  }
0x6d: {  	_ =	shalt  }
0x6e: {  	_ =	shalt  }
0x6f: {  	_ =	shalt  }
0x70: {  	_ =	shalt  }
0x71: {  	_ =	shalt  }
0x72: {  	_ =	shalt  }
0x73: {  	_ =	shalt  }
0x74: {  	_ =	shalt  }
0x75: {  	_ =	shalt  }
0x76: {  	_ =	shalt  }
0x77: {  	_ =	shalt  }
0x78: {  	_ =	shalt  }
0x79: {  	_ =	shalt  }
0x7a: {  	_ =	shalt  }
0x7b: {  	_ =	shalt  }
0x7c: {  	_ =	shalt  }
0x7d: {  	_ =	shalt  }
0x7e: {  	_ =	shalt  }
0x7f: {  	_ =	shalt  }
0x80: {  	_ =	shalt  }
0x81: {  	_ =	shalt  }
0x82: {  	_ =	shalt  }
0x83: {  	_ =	shalt  }
0x84: {  	_ =	shalt  }
0x85: {  	_ =	shalt  }
0x86: {  	_ =	shalt  }
0x87: {  	_ =	shalt  }
.Lfunc_end0:
.L_simem_size_0:
called_computation_lowered:
.L_overlay_start_0:
0x88: {  	s2 =	sld [smem:$0x3FD9]  }
0x89: {  	s3 =	sld [smem:$0x3FFE];
	_ =	sdelay $0x1  }
0x8a: {  	s1 =	srdreg.scid  }
0x8b: {  	s0 =	sand.u32 $0x1, s1  }
0x8c: {  	s17 =	sshll.u32 s0, $0xA;
	s2 =	sadd.s32 s3, s2  }
0x8d: {  	s2 =	sadd.s32 s2, s17  }
0x8e: {  	[smem:$0x3FC2] =	sst s2  }
0x8f: {  	_ = 	snop  }
0x90: {  	s2 =	sld [smem:$0x3FD0];
	(tm) =	ssettm $0x1  }
0x91: {  	s18 =	sld [smem:$0x3FFB];
	_ =	sdelay $0x3  }
0x92: {  	_ =	strace s18  }
0x93: {  	s3 =	sld [smem:$0x3FFC];
	_ =	sdelay $0x3  }
0x94: {  	_ =	strace s3  }
0x95: {  	s3 =	sld [smem:$0x3FFD];
	_ =	sdelay $0x3  }
0x96: {  	_ =	strace s3  }
0x97: {  	_ =	strace $0x8FFFFFFF  }
0x98: {  	s19 =	sld [smem:$0x3FDB];
	_ =	sdelay $0x1  }
0x99: {  	s4 =	simm.s32 $_scs_section_size  }
0x9a: {  	s5 =	simm.s32 $_size__tile_overlayer_lowered;
	s6 =	simm.s32 $_tile_overlayer_lowered  }
0x9b: {  	s22 =	simm.s32 $0x1BFF;
	s21 =	sshll.u32 s6, $0x1;
	s3 =	sadd.s32 s4, s19  }
0x9c: {  	s7 =	simm.s32 $0x0;
	s20 =	sshll.u32 s5, $0x1;
	s5 =	sadd.s32 s21, s3  }
0x9d: {  	[timem:s7], [sflag:s22] =	dma.local [hbm:s5], s20  }
0x9e: {  	_ =	swait.ge [sflag:s22], s20  }
0x9f: {  	s4 =	ssub.s32 $0x0, s20;
	[sflag:s22] =	ssyncset.done $0x0  }
0xa0: {  	[sflag:s22] =	ssyncadd.s32 s4;
	_ =	sdelay $0x1  }
0xa1: {  	s23 =	simm.s32 $0x1B8B  }
0xa2: {  	_ =	swait.ge [sflag:s23], $0x1  }
0xa3: {  	[sflag:s23] =	ssyncset.done $0x0  }
0xa4: {  	s25 =	simm.s32 $0x1B8E;
	s24 =	sld [smem:$0x3FFE];
	[sflag:s23] =	ssyncadd.s32 $0xFFFFFFFF  }
0xa5: {  	s26 =	simm.s32 $execute0_lowered;
	[smem:$0x3FD2] =	sst s25  }
0xa6: {  	s5 =	sshll.u32 s26, $0x1;
	_ =	strace $0x80000046;
	[dreg:$0x1] =	wrdreg $0xFFFFFFFF  }
0xa7: {  	s28 =	simm.s32 $_size_execute0_lowered;
	s3 =	sadd.s32 s3, s5;
	[dreg:$0x0] =	wrdreg $0x0  }
0xa8: {  	s5 =	sshll.u32 s28, $0x1;
	[dreg:$0x2] =	wrdreg s3  }
0xa9: {  	[dreg:$0x3] =	wrdreg s5  }
0xaa: {  	[dreg:$0x4] =	wrdreg $0xC0  }
0xab: {  	_ =	task [dreg:s7], $0x5FFFF  }
0xac: {  	[dreg:$0x1] =	wrdreg $0xFFFFFFFF  }
0xad: {  	[dreg:$0x0] =	wrdreg $0x60  }
0xae: {  	[dreg:$0x2] =	wrdreg s24  }
0xaf: {  	[dreg:$0x3] =	wrdreg s2  }
0xb0: {  	[dreg:$0x4] =	wrdreg $0x108000  }
0xb1: {  	[dreg:$0x5] =	wrdreg $0x9  }
0xb2: {  	_ =	task.clear_ibuf [dreg:s7], $0x6FFFF;
	_ =	strace $0x90000046  }
0xb3: {  	s29 =	simm.s32 $0x9;
	_ =	strace $0x80000048  }
0xb4: {  	_ =	swait.ge [sflag:s29], $0x1  }
0xb5: {  	[sflag:s29] =	ssyncadd.s32 $0xFFFFFFFF  }
0xb6: {  	_ =	strace $0x90000048  }
0xb7: {  	_ =	sfence  }
0xb8: {  	s30 =	sld [smem:$0x0];
	_ =	sdelay $0x2  }
0xb9: {  	s31 =	sshll.u32 s1, $0xD;
	s1 =	sshrl.u32 s1, $0x2  }
0xba: {  	s3 =	sand.u32 $0x4000, s31;
	s1 =	sadd.s32 s1, s30  }
0xbb: {  	s0 =	sor.u32 s3, s0;
	s1 =	sshll.u32 s1, $0x11  }
0xbc: {  	s0 =	sor.u32 s1, s0  }
0xbd: {  	s0 =	sadd.s32 $0x8F2B, s0  }
0xbe: {  	[sflag:s0] =	ssyncadd.remote.s32 $0x1  }
0xbf: {  	_ =	sfence.sel $0xFFFF  }
0xc0: {  	[dreg:$0x0] =	wrdreg $0xFFFFFFFF;
	(pc) =	sbr.abs _section_cstart, $3  }
0xc1: {  	[dreg:$0x1] =	wrdreg $0xFFFFFFFF  }
0xc2: {  	_ =	task.clear_ibuf [dreg:s7], $0x2FFFF;
	_ =	strace $0x9FFFFFFF  }
0xc3: {  	(tm) =	ssettm $0x7FFFFFFF  }
tec
execute0_lowered:
.L_overlay_start_1:
0x0: {  	(tag) =	ssettag $0x1  }
0x1: {  	s0 =	rddreg [dreg:$0x0]  }
0x2: {  	s1 =	rddreg [dreg:$0x1]  }
0x3: {  	s2 =	rddreg [dreg:$0x2];
	s4 =	simm.s32 $0x0;
	s3 =	srdreg.scid  }
0x4: {  	s6 =	stileid.u32;
	s14 =	simm.s32 $0x7;
	s16 =	simm.s32 $0x80  }
0x5: {  	s31 =	simm.s32 $0x8400;
	s18 =	simm.s32 $0x8800;
	s24 =	simm.s32 $0x8500  }
0x6: {  	s28 =	simm.s32 $0xE800;
	s29 =	simm.s32 $0x8580;
	s30 =	simm.s32 $0xB800  }
0x7: {  	s15 =	simm.s32 $0xF800;
	s12 =	simm.s32 $0x20;
	s13 =	simm.s32 $0x3  }
0x8: {  	s20 =	simm.s32 $0x0;
	[smem:$0x7FF] =	sst s4;
	s3 =	sand.u32 $0x1, s3  }
0x9: {  	s5 =	sshll.u32 s6, $0x1;
	s4 =	sadd.s32 $0x2800, s0;
	s7 =	sadd.s32 $0x1800, s0  }
0xa: {  	s11 =	sadd.s32 $0xCC800, s0;
	p0 =	sne.s32 s6, $0x0;
	s6 =	simm.s32 $0x8780  }
0xb: {  	_ =	strace $0x80000047;
	s8 =	sor.u32 s3, s5;
	s5 =	sadd.s32 $0x66800, s0  }
0xc: {  	s3 =	ssub.s32 $0x2, s3;
	[dreg:$0x4] =	wrdreg s7;
	s9 =	smul.u32 $0x3200, s8  }
0xd: {  	s7 =	sadd.s32 $0xCA800, s0;
	s0 =	sshrl.u32 @!p0 s2, $0x3;
	s10 =	sshrl.u32 s3, $0x1  }
0xe: {  	s8 =	smul.u32 $0xC8, s8;
	[dreg:$0x8] =	wrdreg s0;
	s25 =	sadd.s32 s4, s9  }
0xf: {  	s3 =	ssub.s32 s3, s10;
	s9 =	sadd.s32 s5, s9;
	[dreg:$0x5] =	wrdreg s25  }
0x10: {  	s0 =	simm.s32 $0x8600;
	s26 =	smax.u32 s3, $0x1;
	[dreg:$0x6] =	wrdreg s9  }
0x11: {  	s10 =	simm.s32 $0x2;
	s3 =	simm.s32 $0x4;
	[dreg:$0x7] =	wrdreg s26  }
0x12: {  	s25 =	simm.s32 $0xA800;
	s26 =	simm.s32 $0x8700;
	s9 =	simm.s32 $0x1  }
.LBB2_1:
0x13: {  	[dreg:$0x9] =	wrdreg s20  }
0x14: {  	s19 =	rddreg [dreg:$0x4]  }
0x15: {  	s17 =	simm.s32 @!p0 $0x1C07;
	s20 =	rddreg [dreg:$0x8]  }
0x16: {  	[spmem:s20], [sflag:s17] =	dma.local @!p0 [hbm:s19], $0xFA0  }
0x17: {  	s17 =	simm.s32 @!p0 $0x7  }
0x18: {  	_ =	swait.ge @!p0 [sflag:s17], $0xFA0  }
0x19: {  	[sflag:s17] =	ssyncset.done @!p0 $0x0  }
0x1a: {  	[sflag:s17] =	ssyncadd.s32 @!p0 $0xFFFFF060  }
0x1b: {  	[bflag:$0x0] =	sbarrier.arrive $0xFFFF  }
0x1c: {  	s17 =	simm.s32 $0x0;
	s20 =	rddreg [dreg:$0x5]  }
0x1d: {  	[tilespmem:s17], [sflag:$0x7] =	stream.linear.gather [hbm4b:s20+s17], $0x200, $0x38;
	[tilespmem:$0x10FD0] =	vst v63  }
0x1e: {  	_ =	swait.ge [sflag:s14], $0x200  }
0x1f: {  	[sflag:s14] =	ssyncset.done $0x0  }
0x20: {  	s22 =	simm.s32 $0x200;
	s21 =	rddreg [dreg:$0x6];
	[sflag:s14] =	ssyncadd.s32 $0xFFFFFE00  }
0x21: {  	[tilespmem:s22], [sflag:$0x7] =	stream.linear.gather [hbm4b:s21+s17], $0x200, $0x38;
	[tilespmem:$0x10FD0] =	vst v63  }
0x22: {  	_ =	swait.ge [sflag:s14], $0x200  }
0x23: {  	[sflag:s14] =	ssyncset.done $0x0  }
0x24: {  	s23 =	simm.s32 $0x400;
	[sflag:s14] =	ssyncadd.s32 $0xFFFFFE00  }
0x25: {  	[tilespmem:s23], [sflag:$0x1] =	stream.indirect.gather [hbm4b:s1+s16], $0x20, s17, s16, $0xb8;
	[tilespmem:$0x10FD0] =	vst v63  }
0x26: {  	s19 =	simm.s32 $0x4400  }
0x27: {  	[tilespmem:s19], [sflag:$0x2] =	stream.indirect.gather [spmem:s2], $0x20, s22, s16, $0xb8;
	[tilespmem:$0x10FD0] =	vst v63  }
0x28: {  	s21 =	simm.s32 $0x1400  }
0x29: {  	[tilespmem:s21], [sflag:$0x1] =	stream.indirect.gather [hbm4b:s1+s16], $0x20, s16, s16, $0xb8;
	[tilespmem:$0x10FD0] =	vst v63  }
0x2a: {  	s23 =	simm.s32 $0x5400;
	s22 =	simm.s32 $0x280  }
0x2b: {  	[tilespmem:s23], [sflag:$0x2] =	stream.indirect.gather [spmem:s2], $0x20, s22, s16, $0xb8;
	[tilespmem:$0x10FD0] =	vst v63  }
0x2c: {  	s20 =	simm.s32 $0x100;
	s21 =	simm.s32 $0x2400  }
0x2d: {  	[tilespmem:s21], [sflag:$0x1] =	stream.indirect.gather [hbm4b:s1+s16], $0x20, s20, s16, $0xb8;
	[tilespmem:$0x10FD0] =	vst v63  }
0x2e: {  	s22 =	simm.s32 $0x300;
	s23 =	simm.s32 $0x6400  }
0x2f: {  	[tilespmem:s23], [sflag:$0x2] =	stream.indirect.gather [spmem:s2], $0x20, s22, s16, $0xb8;
	[tilespmem:$0x10FD0] =	vst v63  }
0x30: {  	s20 =	simm.s32 $0x180;
	s21 =	simm.s32 $0x3400  }
0x31: {  	[tilespmem:s21], [sflag:$0x1] =	stream.indirect.gather [hbm4b:s1+s16], $0x20, s20, s16, $0xb8;
	[tilespmem:$0x10FD0] =	vst v63  }
0x32: {  	s17 =	simm.s32 $0x0;
	s22 =	simm.s32 $0x380;
	s23 =	simm.s32 $0x7400  }
0x33: {  	[tilespmem:s23], [sflag:$0x2] =	stream.indirect.gather [spmem:s2], $0x20, s22, s16, $0xb8;
	[tilespmem:$0x10FD0] =	vst v63  }
.LBB2_2:
0x34: {  	s19 =	sshll.u32 s17, $0x1;
	p1 =	seq.s32 s17, $0x0  }
0x35: {  	s19 =	sadd.s32 s8, s19;
	s21 =	simm.s32 @!p1 $0x6  }
0x36: {  	_ =	swait.ge @!p1 [sflag:s21], $0x4000;
	s20 =	sshll.u32 s19, $0x6  }
0x37: {  	[sflag:s21] =	ssyncset.done @!p1 $0x0;
	s22 =	sor.u32 $0x40, s20  }
0x38: {  	s23 =	simm.s32 $0x0;
	[sflag:s21] =	ssyncadd.s32 @!p1 $0xFFFFC000;
	s21 =	sadd.s32 s4, s22  }
0x39: {  	[tilespmem:s31], [sflag:$0x7] =	stream.linear.gather [hbm4b:s21+s23], $0x200, $0x38;
	[tilespmem:$0x10FD0] =	vst v63  }
0x3a: {  	_ =	swait.ge [sflag:s14], $0x200  }
0x3b: {  	[sflag:s14] =	ssyncset.done $0x0  }
0x3c: {  	s22 =	sadd.s32 s5, s22;
	[sflag:s14] =	ssyncadd.s32 $0xFFFFFE00  }
0x3d: {  	[tilespmem:s0], [sflag:$0x7] =	stream.linear.gather [hbm4b:s22+s23], $0x200, $0x38;
	[tilespmem:$0x10FD0] =	vst v63  }
0x3e: {  	_ =	swait.ge [sflag:s14], $0x200  }
0x3f: {  	[sflag:s14] =	ssyncset.done $0x0  }
0x40: {  	[sflag:s14] =	ssyncadd.s32 $0xFFFFFE00  }
0x41: {  	[tilespmem:s18], [sflag:$0x3] =	stream.indirect.gather [hbm4b:s1+s16], $0x20, s31, s16, $0xb8;
	[tilespmem:$0x10FD0] =	vst v63  }
0x42: {  	s23 =	simm.s32 $0xC800  }
0x43: {  	[tilespmem:s23], [sflag:$0x4] =	stream.indirect.gather [spmem:s2], $0x20, s0, s16, $0xb8;
	[tilespmem:$0x10FD0] =	vst v63  }
0x44: {  	s22 =	simm.s32 $0x8480;
	s23 =	simm.s32 $0x9800  }
0x45: {  	[tilespmem:s23], [sflag:$0x3] =	stream.indirect.gather [hbm4b:s1+s16], $0x20, s22, s16, $0xb8;
	[tilespmem:$0x10FD0] =	vst v63  }
0x46: {  	s22 =	simm.s32 $0x8680;
	s23 =	simm.s32 $0xD800  }
0x47: {  	[tilespmem:s23], [sflag:$0x4] =	stream.indirect.gather [spmem:s2], $0x20, s22, s16, $0xb8;
	[tilespmem:$0x10FD0] =	vst v63  }
0x48: {  	_ = 	snop  }
0x49: {  	[tilespmem:s25], [sflag:$0x3] =	stream.indirect.gather [hbm4b:s1+s16], $0x20, s24, s16, $0xb8;
	[tilespmem:$0x10FD0] =	vst v63  }
0x4a: {  	_ = 	snop  }
0x4b: {  	[tilespmem:s28], [sflag:$0x4] =	stream.indirect.gather [spmem:s2], $0x20, s26, s16, $0xb8;
	[tilespmem:$0x10FD0] =	vst v63  }
0x4c: {  	_ = 	snop  }
0x4d: {  	[tilespmem:s30], [sflag:$0x3] =	stream.indirect.gather [hbm4b:s1+s16], $0x20, s29, s16, $0xb8;
	[tilespmem:$0x10FD0] =	vst v63  }
0x4e: {  	_ = 	snop  }
0x4f: {  	[tilespmem:s15], [sflag:$0x4] =	stream.indirect.gather [spmem:s2], $0x20, s6, s16, $0xb8;
	[tilespmem:$0x10FD0] =	vst v63  }
0x50: {  	_ =	swait.ge [sflag:s9], $0x1000  }
0x51: {  	[sflag:s9] =	ssyncset.done $0x0  }
0x52: {  	[sflag:s9] =	ssyncadd.s32 $0xFFFFF000  }
0x53: {  	_ =	swait.ge [sflag:s10], $0x1000  }
0x54: {  	[sflag:s10] =	ssyncset.done $0x0  }
0x55: {  	[sflag:s10] =	ssyncadd.s32 $0xFFFFF000  }
0x56: {  	_ =	swait.ge [sflag:s9], $0x1000  }
0x57: {  	[sflag:s9] =	ssyncset.done $0x0  }
0x58: {  	[sflag:s9] =	ssyncadd.s32 $0xFFFFF000  }
0x59: {  	_ =	swait.ge [sflag:s10], $0x1000  }
0x5a: {  	[sflag:s10] =	ssyncset.done $0x0  }
0x5b: {  	[sflag:s10] =	ssyncadd.s32 $0xFFFFF000  }
0x5c: {  	_ =	swait.ge [sflag:s9], $0x1000  }
0x5d: {  	[sflag:s9] =	ssyncset.done $0x0  }
0x5e: {  	[sflag:s9] =	ssyncadd.s32 $0xFFFFF000  }
0x5f: {  	_ =	swait.ge [sflag:s10], $0x1000  }
0x60: {  	[sflag:s10] =	ssyncset.done $0x0  }
0x61: {  	[sflag:s10] =	ssyncadd.s32 $0xFFFFF000  }
0x62: {  	_ =	swait.ge [sflag:s9], $0x1000  }
0x63: {  	[sflag:s9] =	ssyncset.done $0x0  }
0x64: {  	[sflag:s9] =	ssyncadd.s32 $0xFFFFF000  }
0x65: {  	_ =	swait.ge [sflag:s10], $0x1000  }
0x66: {  	[sflag:s10] =	ssyncset.done $0x0  }
0x67: {  	s21 =	simm.s32 $0x0;
	[sflag:s10] =	ssyncadd.s32 $0xFFFFF000  }
0x68: {  	v0 =	vld [tilespmem:s21+$0x44F0]  }
0x69: {  	v1 =	vld [tilespmem:s21+$0x4400]  }
0x6a: {  	v2 =	vld [tilespmem:s21+$0x4410]  }
0x6b: {  	v3 =	vld [tilespmem:s21+$0x4420]  }
0x6c: {  	v4 =	vld [tilespmem:s21+$0x4430]  }
0x6d: {  	v5 =	vld [tilespmem:s21+$0x4440]  }
0x6e: {  	v6 =	vld [tilespmem:s21+$0x4450]  }
0x6f: {  	v7 =	vld [tilespmem:s21+$0x4460]  }
0x70: {  	v8 =	vld [tilespmem:s21+$0x4470]  }
0x71: {  	v9 =	vld [tilespmem:s21+$0x4480]  }
0x72: {  	v10 =	vld [tilespmem:s21+$0x4490]  }
0x73: {  	v11 =	vld [tilespmem:s21+$0x44A0]  }
0x74: {  	v12 =	vld [tilespmem:s21+$0x44B0]  }
0x75: {  	v13 =	vld [tilespmem:s21+$0x44C0]  }
0x76: {  	v14 =	vld [tilespmem:s21+$0x44D0]  }
0x77: {  	[tilespmem:s21+$0x4F0] =	vst.add.f32.msk $0xffff, v0  }
0x78: {  	v0 =	vld [tilespmem:s21+$0x44E0]  }
0x79: {  	[tilespmem:s21+$0x400] =	vst.add.f32.msk $0xffff, v1  }
0x7a: {  	[tilespmem:s21+$0x410] =	vst.add.f32.msk $0xffff, v2  }
0x7b: {  	[tilespmem:s21+$0x420] =	vst.add.f32.msk $0xffff, v3  }
0x7c: {  	[tilespmem:s21+$0x430] =	vst.add.f32.msk $0xffff, v4  }
0x7d: {  	[tilespmem:s21+$0x440] =	vst.add.f32.msk $0xffff, v5  }
0x7e: {  	[tilespmem:s21+$0x450] =	vst.add.f32.msk $0xffff, v6  }
0x7f: {  	[tilespmem:s21+$0x460] =	vst.add.f32.msk $0xffff, v7  }
0x80: {  	[tilespmem:s21+$0x470] =	vst.add.f32.msk $0xffff, v8  }
0x81: {  	[tilespmem:s21+$0x480] =	vst.add.f32.msk $0xffff, v9  }
0x82: {  	[tilespmem:s21+$0x490] =	vst.add.f32.msk $0xffff, v10  }
0x83: {  	[tilespmem:s21+$0x4A0] =	vst.add.f32.msk $0xffff, v11  }
0x84: {  	[tilespmem:s21+$0x4B0] =	vst.add.f32.msk $0xffff, v12  }
0x85: {  	[tilespmem:s21+$0x4C0] =	vst.add.f32.msk $0xffff, v13  }
0x86: {  	s22 =	simm.s32 $0x0;
	s23 =	simm.s32 $0x400;
	[tilespmem:s21+$0x4D0] =	vst.add.f32.msk $0xffff, v14  }
.LBB2_3:
0x87: {  	s22 =	sadd.s32 $0x8, s22;
	[tilespmem:s21+$0x4E0] =	vst.add.f32.msk $0xffff, v0;
	s21 =	sshra.s32 s23, $0x2  }
0x88: {  	v0 =	vld [tilespmem:s21+$0x44F0];
	p1 =	slt.u32 s22, $0x1F8  }
0x89: {  	v1 =	vld [tilespmem:s21+$0x4400]  }
0x8a: {  	v2 =	vld [tilespmem:s21+$0x4410]  }
0x8b: {  	v3 =	vld [tilespmem:s21+$0x4420]  }
0x8c: {  	v4 =	vld [tilespmem:s21+$0x4430]  }
0x8d: {  	[tilespmem:s21+$0x4F0] =	vst.add.f32.msk $0xffff, v0  }
0x8e: {  	v5 =	vld [tilespmem:s21+$0x4440]  }
0x8f: {  	v6 =	vld [tilespmem:s21+$0x4450]  }
0x90: {  	v7 =	vld [tilespmem:s21+$0x4460]  }
0x91: {  	v8 =	vld [tilespmem:s21+$0x4470]  }
0x92: {  	v9 =	vld [tilespmem:s21+$0x4480]  }
0x93: {  	v10 =	vld [tilespmem:s21+$0x4490]  }
0x94: {  	v11 =	vld [tilespmem:s21+$0x44A0]  }
0x95: {  	v12 =	vld [tilespmem:s21+$0x44B0]  }
0x96: {  	v13 =	vld [tilespmem:s21+$0x44C0]  }
0x97: {  	v14 =	vld [tilespmem:s21+$0x44D0]  }
0x98: {  	v0 =	vld [tilespmem:s21+$0x44E0]  }
0x99: {  	[tilespmem:s21+$0x400] =	vst.add.f32.msk $0xffff, v1  }
0x9a: {  	[tilespmem:s21+$0x410] =	vst.add.f32.msk $0xffff, v2  }
0x9b: {  	[tilespmem:s21+$0x420] =	vst.add.f32.msk $0xffff, v3  }
0x9c: {  	[tilespmem:s21+$0x430] =	vst.add.f32.msk $0xffff, v4  }
0x9d: {  	[tilespmem:s21+$0x440] =	vst.add.f32.msk $0xffff, v5  }
0x9e: {  	[tilespmem:s21+$0x450] =	vst.add.f32.msk $0xffff, v6  }
0x9f: {  	[tilespmem:s21+$0x460] =	vst.add.f32.msk $0xffff, v7  }
0xa0: {  	[tilespmem:s21+$0x470] =	vst.add.f32.msk $0xffff, v8  }
0xa1: {  	[tilespmem:s21+$0x480] =	vst.add.f32.msk $0xffff, v9  }
.Ltmp0:
0xa2: {  	[tilespmem:s21+$0x490] =	vst.add.f32.msk $0xffff, v10;
	(pc) =	sbr.rel @p1 .LBB2_3-.Ltmp0, $4  }
0xa3: {  	[tilespmem:s21+$0x4A0] =	vst.add.f32.msk $0xffff, v11  }
0xa4: {  	[tilespmem:s21+$0x4B0] =	vst.add.f32.msk $0xffff, v12  }
0xa5: {  	[tilespmem:s21+$0x4C0] =	vst.add.f32.msk $0xffff, v13  }
0xa6: {  	s23 =	sadd.s32 $0x400, s23;
	[tilespmem:s21+$0x4D0] =	vst.add.f32.msk $0xffff, v14  }
0xa7: {  	s22 =	sand.u32 $0x3, s17  }
0xa8: {  	p1 =	seq.s32 s19, $0x0;
	p2 =	sne.s32 s22, $0x0  }
0xa9: {  	p1 =	por !p2, !p1  }
0xaa: {  	s22 =	simm.s32 $0x1;
	p1 =	por !p1, !p1  }
0xab: {  	s23 =	sshrl.u32 s19, $0x3;
	s22 =	simm.s32 @!p1 $0x0  }
0xac: {  	s22 =	ssub.s32 s23, s22;
	s23 =	sshll.u32 s17, $0x5  }
0xad: {  	s22 =	sshll.u32 s22, $0x11;
	s23 =	sand.u32 $0x60, s23  }
0xae: {  	s22 =	sor.u32 s23, s22  }
0xaf: {  	p1 =	seq.s32 s17, $0x63;
	s22 =	sshrl.u32 s22, $0x3  }
0xb0: {  	[tilespmem:s21+$0x4E0] =	vst.add.f32.msk $0xffff, v0;
	s21 =	simm.s32 @!p1 $0x5;
	s23 =	simm.s32 $0x400;
	s22 =	sadd.s32 s7, s22  }
0xb1: {  	[hbm4b:s22+s12] =	stream.strided.scatter [tilespmem:s23], [sflag:$0x5], $0x4000, s16, s12, $0x38;
	[tilespmem:$0x10FD0] =	vst v63  }
0xb2: {  	_ =	swait.ge @!p1 [sflag:s21], $0x4000  }
0xb3: {  	s20 =	sadd.s32 @!p1 $0x80, s20;
	[sflag:s21] =	ssyncset.done @!p1 $0x0  }
0xb4: {  	s22 =	simm.s32 @!p1 $0x0;
	[sflag:s21] =	ssyncadd.s32 @!p1 $0xFFFFC000;
	s21 =	sadd.s32 @!p1 s4, s20  }
0xb5: {  	[tilespmem:s22], [sflag:$0x7] =	stream.linear.gather @!p1 [hbm4b:s21+s22], $0x200, $0x38;
	[tilespmem:$0x10FD0] =	vst v63  }
0xb6: {  	s21 =	simm.s32 @!p1 $0x7  }
0xb7: {  	_ =	swait.ge @!p1 [sflag:s21], $0x200  }
0xb8: {  	[sflag:s21] =	ssyncset.done @!p1 $0x0  }
0xb9: {  	s23 =	simm.s32 @!p1 $0x200;
	s20 =	sadd.s32 @!p1 s5, s20;
	[sflag:s21] =	ssyncadd.s32 @!p1 $0xFFFFFE00  }
0xba: {  	[tilespmem:s23], [sflag:$0x7] =	stream.linear.gather @!p1 [hbm4b:s20+s22], $0x200, $0x38;
	[tilespmem:$0x10FD0] =	vst v63  }
0xbb: {  	_ =	swait.ge @!p1 [sflag:s21], $0x200  }
0xbc: {  	[sflag:s21] =	ssyncset.done @!p1 $0x0  }
0xbd: {  	s20 =	simm.s32 @!p1 $0x80;
	[sflag:s21] =	ssyncadd.s32 @!p1 $0xFFFFFE00;
	s21 =	simm.s32 @!p1 $0x400  }
0xbe: {  	[tilespmem:s21], [sflag:$0x1] =	stream.indirect.gather @!p1 [hbm4b:s1+s20], $0x20, s22, s20, $0xb8;
	[tilespmem:$0x10FD0] =	vst v63  }
0xbf: {  	s21 =	simm.s32 @!p1 $0x4400  }
0xc0: {  	[tilespmem:s21], [sflag:$0x2] =	stream.indirect.gather @!p1 [spmem:s2], $0x20, s23, s20, $0xb8;
	[tilespmem:$0x10FD0] =	vst v63  }
0xc1: {  	s21 =	simm.s32 @!p1 $0x1400  }
0xc2: {  	[tilespmem:s21], [sflag:$0x1] =	stream.indirect.gather @!p1 [hbm4b:s1+s20], $0x20, s20, s20, $0xb8;
	[tilespmem:$0x10FD0] =	vst v63  }
0xc3: {  	s22 =	simm.s32 @!p1 $0x5400;
	s21 =	simm.s32 @!p1 $0x280  }
0xc4: {  	[tilespmem:s22], [sflag:$0x2] =	stream.indirect.gather @!p1 [spmem:s2], $0x20, s21, s20, $0xb8;
	[tilespmem:$0x10FD0] =	vst v63  }
0xc5: {  	s21 =	simm.s32 @!p1 $0x100;
	s22 =	simm.s32 @!p1 $0x2400  }
0xc6: {  	[tilespmem:s22], [sflag:$0x1] =	stream.indirect.gather @!p1 [hbm4b:s1+s20], $0x20, s21, s20, $0xb8;
	[tilespmem:$0x10FD0] =	vst v63  }
0xc7: {  	s21 =	simm.s32 @!p1 $0x300;
	s22 =	simm.s32 @!p1 $0x6400  }
0xc8: {  	[tilespmem:s22], [sflag:$0x2] =	stream.indirect.gather @!p1 [spmem:s2], $0x20, s21, s20, $0xb8;
	[tilespmem:$0x10FD0] =	vst v63  }
0xc9: {  	s21 =	simm.s32 @!p1 $0x180;
	s22 =	simm.s32 @!p1 $0x3400  }
0xca: {  	[tilespmem:s22], [sflag:$0x1] =	stream.indirect.gather @!p1 [hbm4b:s1+s20], $0x20, s21, s20, $0xb8;
	[tilespmem:$0x10FD0] =	vst v63  }
0xcb: {  	s21 =	simm.s32 @!p1 $0x380;
	s22 =	simm.s32 @!p1 $0x7400  }
0xcc: {  	[tilespmem:s22], [sflag:$0x2] =	stream.indirect.gather @!p1 [spmem:s2], $0x20, s21, s20, $0xb8;
	[tilespmem:$0x10FD0] =	vst v63  }
0xcd: {  	_ =	swait.ge [sflag:s13], $0x1000  }
0xce: {  	[sflag:s13] =	ssyncset.done $0x0  }
0xcf: {  	[sflag:s13] =	ssyncadd.s32 $0xFFFFF000  }
0xd0: {  	_ =	swait.ge [sflag:s3], $0x1000  }
0xd1: {  	[sflag:s3] =	ssyncset.done $0x0  }
0xd2: {  	[sflag:s3] =	ssyncadd.s32 $0xFFFFF000  }
0xd3: {  	_ =	swait.ge [sflag:s13], $0x1000  }
0xd4: {  	[sflag:s13] =	ssyncset.done $0x0  }
0xd5: {  	[sflag:s13] =	ssyncadd.s32 $0xFFFFF000  }
0xd6: {  	_ =	swait.ge [sflag:s3], $0x1000  }
0xd7: {  	[sflag:s3] =	ssyncset.done $0x0  }
0xd8: {  	[sflag:s3] =	ssyncadd.s32 $0xFFFFF000  }
0xd9: {  	_ =	swait.ge [sflag:s13], $0x1000  }
0xda: {  	[sflag:s13] =	ssyncset.done $0x0  }
0xdb: {  	[sflag:s13] =	ssyncadd.s32 $0xFFFFF000  }
0xdc: {  	_ =	swait.ge [sflag:s3], $0x1000  }
0xdd: {  	[sflag:s3] =	ssyncset.done $0x0  }
0xde: {  	[sflag:s3] =	ssyncadd.s32 $0xFFFFF000  }
0xdf: {  	_ =	swait.ge [sflag:s13], $0x1000  }
0xe0: {  	[sflag:s13] =	ssyncset.done $0x0  }
0xe1: {  	[sflag:s13] =	ssyncadd.s32 $0xFFFFF000  }
0xe2: {  	_ =	swait.ge [sflag:s3], $0x1000  }
0xe3: {  	[sflag:s3] =	ssyncset.done $0x0  }
0xe4: {  	s20 =	simm.s32 $0x0;
	[sflag:s3] =	ssyncadd.s32 $0xFFFFF000  }
0xe5: {  	v0 =	vld [tilespmem:s20+$0xC8F0]  }
0xe6: {  	v1 =	vld [tilespmem:s20+$0xC800]  }
0xe7: {  	v2 =	vld [tilespmem:s20+$0xC810]  }
0xe8: {  	v3 =	vld [tilespmem:s20+$0xC820]  }
0xe9: {  	v4 =	vld [tilespmem:s20+$0xC830]  }
0xea: {  	v5 =	vld [tilespmem:s20+$0xC840]  }
0xeb: {  	v6 =	vld [tilespmem:s20+$0xC850]  }
0xec: {  	v7 =	vld [tilespmem:s20+$0xC860]  }
0xed: {  	v8 =	vld [tilespmem:s20+$0xC870]  }
0xee: {  	v9 =	vld [tilespmem:s20+$0xC880]  }
0xef: {  	v10 =	vld [tilespmem:s20+$0xC890]  }
0xf0: {  	v11 =	vld [tilespmem:s20+$0xC8A0]  }
0xf1: {  	v12 =	vld [tilespmem:s20+$0xC8B0]  }
0xf2: {  	v13 =	vld [tilespmem:s20+$0xC8C0]  }
0xf3: {  	v14 =	vld [tilespmem:s20+$0xC8D0]  }
0xf4: {  	[tilespmem:s20+$0x88F0] =	vst.add.f32.msk $0xffff, v0  }
0xf5: {  	v0 =	vld [tilespmem:s20+$0xC8E0]  }
0xf6: {  	[tilespmem:s20+$0x8800] =	vst.add.f32.msk $0xffff, v1  }
0xf7: {  	[tilespmem:s20+$0x8810] =	vst.add.f32.msk $0xffff, v2  }
0xf8: {  	[tilespmem:s20+$0x8820] =	vst.add.f32.msk $0xffff, v3  }
0xf9: {  	[tilespmem:s20+$0x8830] =	vst.add.f32.msk $0xffff, v4  }
0xfa: {  	[tilespmem:s20+$0x8840] =	vst.add.f32.msk $0xffff, v5  }
0xfb: {  	[tilespmem:s20+$0x8850] =	vst.add.f32.msk $0xffff, v6  }
0xfc: {  	[tilespmem:s20+$0x8860] =	vst.add.f32.msk $0xffff, v7  }
0xfd: {  	[tilespmem:s20+$0x8870] =	vst.add.f32.msk $0xffff, v8  }
0xfe: {  	[tilespmem:s20+$0x8880] =	vst.add.f32.msk $0xffff, v9  }
0xff: {  	[tilespmem:s20+$0x8890] =	vst.add.f32.msk $0xffff, v10  }
0x100: {  	[tilespmem:s20+$0x88A0] =	vst.add.f32.msk $0xffff, v11  }
0x101: {  	[tilespmem:s20+$0x88B0] =	vst.add.f32.msk $0xffff, v12  }
0x102: {  	[tilespmem:s20+$0x88C0] =	vst.add.f32.msk $0xffff, v13  }
0x103: {  	s23 =	simm.s32 $0x400;
	s21 =	sadd.s32 $0x1, s17;
	s22 =	simm.s32 $0x0;
	[tilespmem:s20+$0x88D0] =	vst.add.f32.msk $0xffff, v14  }
.LBB2_5:
0x104: {  	s22 =	sadd.s32 $0x8, s22;
	[tilespmem:s20+$0x88E0] =	vst.add.f32.msk $0xffff, v0;
	s20 =	sshra.s32 s23, $0x2  }
0x105: {  	v0 =	vld [tilespmem:s20+$0xC8F0];
	p1 =	slt.u32 s22, $0x1F8  }
0x106: {  	v1 =	vld [tilespmem:s20+$0xC800]  }
0x107: {  	v2 =	vld [tilespmem:s20+$0xC810]  }
0x108: {  	v3 =	vld [tilespmem:s20+$0xC820]  }
0x109: {  	v4 =	vld [tilespmem:s20+$0xC830]  }
0x10a: {  	[tilespmem:s20+$0x88F0] =	vst.add.f32.msk $0xffff, v0  }
0x10b: {  	v5 =	vld [tilespmem:s20+$0xC840]  }
0x10c: {  	v6 =	vld [tilespmem:s20+$0xC850]  }
0x10d: {  	v7 =	vld [tilespmem:s20+$0xC860]  }
0x10e: {  	v8 =	vld [tilespmem:s20+$0xC870]  }
0x10f: {  	v9 =	vld [tilespmem:s20+$0xC880]  }
0x110: {  	v10 =	vld [tilespmem:s20+$0xC890]  }
0x111: {  	v11 =	vld [tilespmem:s20+$0xC8A0]  }
0x112: {  	v12 =	vld [tilespmem:s20+$0xC8B0]  }
0x113: {  	v13 =	vld [tilespmem:s20+$0xC8C0]  }
0x114: {  	v14 =	vld [tilespmem:s20+$0xC8D0]  }
0x115: {  	v0 =	vld [tilespmem:s20+$0xC8E0]  }
0x116: {  	[tilespmem:s20+$0x8800] =	vst.add.f32.msk $0xffff, v1  }
0x117: {  	[tilespmem:s20+$0x8810] =	vst.add.f32.msk $0xffff, v2  }
0x118: {  	[tilespmem:s20+$0x8820] =	vst.add.f32.msk $0xffff, v3  }
0x119: {  	[tilespmem:s20+$0x8830] =	vst.add.f32.msk $0xffff, v4  }
0x11a: {  	[tilespmem:s20+$0x8840] =	vst.add.f32.msk $0xffff, v5  }
0x11b: {  	[tilespmem:s20+$0x8850] =	vst.add.f32.msk $0xffff, v6  }
0x11c: {  	[tilespmem:s20+$0x8860] =	vst.add.f32.msk $0xffff, v7  }
0x11d: {  	[tilespmem:s20+$0x8870] =	vst.add.f32.msk $0xffff, v8  }
0x11e: {  	[tilespmem:s20+$0x8880] =	vst.add.f32.msk $0xffff, v9  }
.Ltmp1:
0x11f: {  	[tilespmem:s20+$0x8890] =	vst.add.f32.msk $0xffff, v10;
	(pc) =	sbr.rel @p1 .LBB2_5-.Ltmp1, $4  }
0x120: {  	[tilespmem:s20+$0x88A0] =	vst.add.f32.msk $0xffff, v11  }
0x121: {  	[tilespmem:s20+$0x88B0] =	vst.add.f32.msk $0xffff, v12  }
0x122: {  	[tilespmem:s20+$0x88C0] =	vst.add.f32.msk $0xffff, v13  }
0x123: {  	s23 =	sadd.s32 $0x400, s23;
	[tilespmem:s20+$0x88D0] =	vst.add.f32.msk $0xffff, v14  }
0x124: {  	s19 =	sshll.u32 s19, $0xB;
	s17 =	sshll.u32 s17, $0x2;
	p1 =	sne.s32 s21, $0x64  }
.Ltmp2:
0x125: {  	s19 =	sand.u32 $0xFFFC000, s19;
	s17 =	sand.u32 $0xC, s17;
	(pc) =	sbr.rel @p1 .LBB2_2-.Ltmp2, $4  }
0x126: {  	s17 =	sor.u32 s19, s17  }
0x127: {  	[tilespmem:s20+$0x88E0] =	vst.add.f32.msk $0xffff, v0;
	s17 =	sadd.s32 s17, s11  }
0x128: {  	[hbm4b:s17+s12] =	stream.strided.scatter [tilespmem:s18], [sflag:$0x6], $0x4000, s16, s12, $0x38;
	[tilespmem:$0x10FD0] =	vst v63  }
0x129: {  	s17 =	smov.u32 s21  }
0x12a: {  	s17 =	simm.s32 $0x5  }
0x12b: {  	_ =	swait.ge [sflag:s17], $0x4000  }
0x12c: {  	[sflag:s17] =	ssyncset.done $0x0  }
0x12d: {  	s19 =	simm.s32 $0x6;
	[sflag:s17] =	ssyncadd.s32 $0xFFFFC000  }
0x12e: {  	_ =	swait.ge [sflag:s19], $0x4000  }
0x12f: {  	s20 =	rddreg [dreg:$0x9]  }
0x130: {  	s23 =	rddreg [dreg:$0x7];
	s20 =	sadd.s32 $0x1, s20  }
0x131: {  	p1 =	sne.s32 s20, s23  }
.Ltmp3:
0x132: {  	_ = 	snop;
	(pc) =	sbr.rel @p1 .LBB2_1-.Ltmp3, $3  }
0x133: {  	_ =	sdelay $0x1  }
0x134: {  	[sflag:s19] =	ssyncset.done $0x0  }
0x135: {  	[sflag:s19] =	ssyncadd.s32 $0xFFFFC000  }
0x136: {  	_ =	sfence.sel $0x180000  }
0x137: {  	[bflag:$0x0] =	sbarrier.arrive $0xFFFF  }
0x138: {  	_ =	strace $0x90000047  }
0x139: {  	[bflag:$0x2] =	sbarrier.arrive $0xFFFF  }
0x13a: {  	s0 =	rddreg [dreg:$0x3]  }
0x13b: {  	s0 =	sadd.s32 @!p0 $0x100000, s0  }
0x13c: {  	[sflag:s0] =	ssyncadd.tile.s32 @!p0 $0x1;
	_ =	shalt  }
.Lfunc_end2:
_tile_overlayer_lowered:
.L_overlay_start_2:
0x13d: {  	(tag) =	ssettag $0x2  }
0x13e: {  	s0 =	rddreg [dreg:$0x0];
	s2 =	stileid.u32  }
0x13f: {  	s1 =	rddreg [dreg:$0x1];
	p0 =	sne.s32 s2, $0x0  }
0x140: {  	s3 =	rddreg [dreg:$0x2];
	[bflag:$0x3] =	sbarrier.arrive $0xFFFF;
	s2 =	simm.s32 @!p0 $0x1C07  }
0x141: {  	[timem:s3], [sflag:s2] =	dma.local @!p0 [hbm:s0], s1  }
0x142: {  	s0 =	simm.s32 @!p0 $0x7  }
0x143: {  	_ =	swait.ge @!p0 [sflag:s0], s1  }
0x144: {  	s1 =	ssub.s32 @!p0 $0x0, s1;
	[sflag:s0] =	ssyncset.done @!p0 $0x0  }
0x145: {  	[sflag:s0] =	ssyncadd.s32 @!p0 s1  }
0x146: {  	[bflag:$0x3] =	sbarrier.arrive $0xFFFF  }
0x147: {  	_ =	shalt  }

</sc_bundles>
